<compile_context>
chip_gen: v7x
topology: tpu7x:2x2x1
jax: 0.10.2.dev20260603
libtpu: 0.0.44.dev20260713+nightly
codegen_flags: <defaults>
</compile_context>

<pallas_src>
import functools

import jax
import jax.numpy as jnp
from jax import lax
from jax.experimental import pallas as pl
from jax.experimental.pallas import tpu as pltpu
from jax.experimental.pallas import tpu_sc as plsc

_NC = 2
_NS = 16
_NW = _NC * _NS
_CHUNK = 128
_K = 4
_SUPER = _CHUNK * _K
_NBUF = 3


@functools.cache
def _build(V, D, N):
    per_w = N // _NW
    n_chunks = per_w // _CHUNK
    n_super = n_chunks // _K
    mesh = plsc.VectorSubcoreMesh(core_axis_name="c", subcore_axis_name="s")

    @functools.partial(
        pl.kernel,
        out_type=jax.ShapeDtypeStruct((N, 2 * D), jnp.float32),
        mesh=mesh,
        scratch_types=[
            pltpu.VMEM((n_chunks, _CHUNK), jnp.int32),
            pltpu.VMEM((_NBUF, _SUPER, D), jnp.float32),
            pltpu.SemaphoreType.DMA((_NBUF,)),
            pltpu.SemaphoreType.DMA((_NBUF,)),
        ],
        compiler_params=pltpu.CompilerParams(use_tc_tiling_on_sc=False),
    )
    def gather_kernel(table_hbm, idx_hbm, out_hbm, idx_v, rows_v, gsem, wsem):
        wid = lax.axis_index("s") * _NC + lax.axis_index("c")
        base = wid * per_w
        pltpu.sync_copy(idx_hbm.at[wid], idx_v)

        def issue_gathers(g, b):
            for k in range(_K):
                pltpu.async_copy(
                    table_hbm.at[idx_v.at[g * _K + k]],
                    rows_v.at[b, pl.ds(k * _CHUNK, _CHUNK)],
                    gsem.at[b],
                )

        def wait_gathers(b):
            for k in range(_K):
                pltpu.make_async_copy(
                    table_hbm.at[idx_v.at[0]],
                    rows_v.at[b, pl.ds(k * _CHUNK, _CHUNK)],
                    gsem.at[b],
                ).wait()

        def wait_write(b):
            pltpu.make_async_copy(
                rows_v.at[b],
                out_hbm.at[pl.ds(base, _SUPER), pl.ds(0, D)],
                wsem.at[b],
            ).wait()

        for b in range(_NBUF):
            issue_gathers(b, b)

        def step(g, carry):
            b = lax.rem(g, _NBUF)
            wait_gathers(b)
            pltpu.async_copy(
                rows_v.at[b],
                out_hbm.at[pl.ds(base + g * _SUPER, _SUPER), pl.ds(0, D)],
                wsem.at[b],
            )

            @pl.when(g + _NBUF < n_super)
            def _():
                wait_write(b)
                issue_gathers(g + _NBUF, b)

            return carry

        lax.fori_loop(0, n_super, step, 0)
        for b in range(_NBUF):
            wait_write(b)

    return gather_kernel


def kernel(x, embedding_weight):
    B, H = x.shape
    V, D = embedding_weight.shape
    N = B * H
    idx = x.reshape(_NW, N // _NW // _CHUNK, _CHUNK).astype(jnp.int32)
    out = _build(V, D, N)(embedding_weight, idx)
    return out[:, :D].reshape(B, H, D)

# --- scband reference (transcript-rebuilt; emitter-appended) ---
"""Pipeline reference for scband-decoder-31396210934162 (READ-ONLY COPY).

The authoritative reference and input builder live on the scoring server;
editing this copy changes nothing except your own understanding.
"""

import jax, jax.numpy as jnp
import numpy as np

VOCAB = 1000000
EMBED_DIM = 64
BATCH = 4096
HIST = 200

def setup_inputs(seed: int = 0) -> dict:
    key = jax.random.key(seed)
    k_idx, k_tab = jax.random.split(key)
    x = jax.random.randint(k_idx, (BATCH, HIST), 0, VOCAB, dtype=jnp.int64)
    # embedding table parameter (nn.Embedding weight), N(0,1) init like torch default
    embedding_weight = jax.random.normal(k_tab, (VOCAB, EMBED_DIM), dtype=jnp.float32)
    return {"x": x, "embedding_weight": embedding_weight}

def reference(x, embedding_weight):
    # forward: embedding lookup followed by dropout(p=0.0) which is identity in eval/zero-p
    out = jnp.take(embedding_weight, x, axis=0)
    return out

if __name__ == "__main__":
    import jax
    _d = setup_inputs()
    print(jax.jit(kernel)(*tuple(_d.values())))

</pallas_src>

<mosaic_0001>
#map = affine_map<(d0, d1) -> (0, 0)>
#map1 = affine_map<(d0, d1) -> (0, 0, 0)>
module attributes {stable_mosaic.version = 14 : i64} {
  func.func @gather_kernel(%arg0: i32, %arg1: i32, %arg2: memref<1000000x64xf32, #tpu.memory_space<hbm>>, %arg3: memref<32x200x128xi32, #tpu.memory_space<hbm>>, %arg4: memref<819200x128xf32, #tpu.memory_space<hbm>>, %arg5: memref<200x128xi32, #tpu.memory_space<vmem>>, %arg6: memref<3x512x64xf32, #tpu.memory_space<vmem>>, %arg7: memref<3x!tpu.dma_semaphore, #tpu.memory_space<semaphore_mem>>, %arg8: memref<3x!tpu.dma_semaphore, #tpu.memory_space<semaphore_mem>>) attributes {dimension_semantics = [#tpu.dimension_semantics<core_parallel>, #tpu.dimension_semantics<subcore_parallel>], iteration_bounds = array<i64: 2, 16>, scalar_prefetch = 0 : i64, scratch_operands = 4 : i64, tpu.core_type = #tpu.core_type<sc_vector_subcore>, window_params = [{transform_indices = #map}, {transform_indices = #map1}, {transform_indices = #map}]} {
    %mul3A = arith.constant 2 : i32
    %mul3A_0 = arith.muli %arg1, %mul3A : i32
    %add3A = arith.addi %mul3A_0, %arg0 : i32
    %mul3A_1 = arith.constant 25600 : i32
    %mul3A_2 = arith.muli %add3A, %mul3A_1 : i32
    "tpu.region"() ({
      %run_scoped3A = tpu.sem_alloc : memref<!tpu.dma_semaphore, #tpu.memory_space<semaphore_mem>>
      %dma_start3A_234 = arith.constant 0 : i32
      %dma_start3A_235 = arith.constant 0 : i32
      %dma_start3A_236 = tpu.memref_slice %arg3[%add3A, %dma_start3A_234, %dma_start3A_235] : memref<32x200x128xi32, #tpu.memory_space<hbm>> -> memref<1x200x128xi32, #tpu.memory_space<hbm>>
      %dma_start3A_237 = tpu.memref_squeeze %dma_start3A_236 : memref<1x200x128xi32, #tpu.memory_space<hbm>> -> memref<200x128xi32, #tpu.memory_space<hbm>>
      %dma_start3A_238 = arith.constant 0 : i32
      %dma_start3A_239 = arith.constant 0 : i32
      %dma_start3A_240 = tpu.memref_slice %arg3[%add3A, %dma_start3A_238, %dma_start3A_239] : memref<32x200x128xi32, #tpu.memory_space<hbm>> -> memref<1x200x128xi32, #tpu.memory_space<hbm>>
      %dma_start3A_241 = tpu.memref_squeeze %dma_start3A_240 : memref<1x200x128xi32, #tpu.memory_space<hbm>> -> memref<200x128xi32, #tpu.memory_space<hbm>>
      tpu.enqueue_dma source(%dma_start3A_241 : memref<200x128xi32, #tpu.memory_space<hbm>>) target(%arg5 : memref<200x128xi32, #tpu.memory_space<vmem>>) target_semaphore(%run_scoped3A : memref<!tpu.dma_semaphore, #tpu.memory_space<semaphore_mem>>)
      %dma_wait3A_242 = arith.constant 0 : i32
      %dma_wait3A_243 = arith.constant 0 : i32
      %dma_wait3A_244 = tpu.memref_slice %arg3[%add3A, %dma_wait3A_242, %dma_wait3A_243] : memref<32x200x128xi32, #tpu.memory_space<hbm>> -> memref<1x200x128xi32, #tpu.memory_space<hbm>>
      %dma_wait3A_245 = tpu.memref_squeeze %dma_wait3A_244 : memref<1x200x128xi32, #tpu.memory_space<hbm>> -> memref<200x128xi32, #tpu.memory_space<hbm>>
      %dma_wait3A_246 = arith.constant 0 : i32
      %dma_wait3A_247 = arith.constant 0 : i32
      %dma_wait3A_248 = tpu.memref_slice %arg3[%add3A, %dma_wait3A_246, %dma_wait3A_247] : memref<32x200x128xi32, #tpu.memory_space<hbm>> -> memref<1x200x128xi32, #tpu.memory_space<hbm>>
      %dma_wait3A_249 = tpu.memref_squeeze %dma_wait3A_248 : memref<1x200x128xi32, #tpu.memory_space<hbm>> -> memref<200x128xi32, #tpu.memory_space<hbm>>
      tpu.wait_dma2 semaphore(%run_scoped3A : memref<!tpu.dma_semaphore, #tpu.memory_space<semaphore_mem>>) src(%dma_wait3A_249 : memref<200x128xi32, #tpu.memory_space<hbm>>) dst(%arg5 : memref<200x128xi32, #tpu.memory_space<vmem>>)
      tpu.yield
    }) : () -> ()
    %dma_start3A = arith.constant 0 : i32
    %dma_start3A_3 = arith.constant 0 : i32
    %dma_start3A_4 = arith.constant 0 : i32
    %dma_start3A_5 = arith.constant 0 : i32
    %dma_start3A_6 = arith.constant 0 : i32
    %dma_start3A_7 = tpu.memref_slice %arg6[%dma_start3A_3, %dma_start3A_5, %dma_start3A_6] : memref<3x512x64xf32, #tpu.memory_space<vmem>> -> memref<1x128x64xf32, #tpu.memory_space<vmem>>
    %dma_start3A_8 = tpu.memref_squeeze %dma_start3A_7 : memref<1x128x64xf32, #tpu.memory_space<vmem>> -> memref<128x64xf32, #tpu.memory_space<vmem>>
    %dma_start3A_9 = arith.constant 0 : i32
    %dma_start3A_10 = tpu.memref_slice %arg5[%dma_start3A, %dma_start3A_9] : memref<200x128xi32, #tpu.memory_space<vmem>> -> memref<1x128xi32, #tpu.memory_space<vmem>>
    %dma_start3A_11 = tpu.memref_squeeze %dma_start3A_10 : memref<1x128xi32, #tpu.memory_space<vmem>> -> memref<128xi32, #tpu.memory_space<vmem>>
    %dma_start3A_12 = arith.constant 0 : i32
    %dma_start3A_13 = arith.constant 0 : i32
    %dma_start3A_14 = tpu.memref_slice %arg2[%dma_start3A_12, %dma_start3A_13] : memref<1000000x64xf32, #tpu.memory_space<hbm>> -> memref<1000000x64xf32, #tpu.memory_space<hbm>>
    %dma_start3A_15 = tpu.memref_slice %arg7[%dma_start3A_4] : memref<3x!tpu.dma_semaphore, #tpu.memory_space<semaphore_mem>> -> memref<1x!tpu.dma_semaphore, #tpu.memory_space<semaphore_mem>>
    %dma_start3A_16 = tpu.memref_squeeze %dma_start3A_15 : memref<1x!tpu.dma_semaphore, #tpu.memory_space<semaphore_mem>> -> memref<!tpu.dma_semaphore, #tpu.memory_space<semaphore_mem>>
    tpu.enqueue_indirect_dma source(%dma_start3A_14 : memref<1000000x64xf32, #tpu.memory_space<hbm>>) target(%dma_start3A_8 : memref<128x64xf32, #tpu.memory_space<vmem>>) offsets(%dma_start3A_11 : memref<128xi32, #tpu.memory_space<vmem>>) semaphore(%dma_start3A_16 : memref<!tpu.dma_semaphore, #tpu.memory_space<semaphore_mem>>)
    %dma_start3A_17 = arith.constant 1 : i32
    %dma_start3A_18 = arith.constant 0 : i32
    %dma_start3A_19 = arith.constant 0 : i32
    %dma_start3A_20 = arith.constant 128 : i32
    %dma_start3A_21 = arith.constant 0 : i32
    %dma_start3A_22 = tpu.memref_slice %arg6[%dma_start3A_18, %dma_start3A_20, %dma_start3A_21] : memref<3x512x64xf32, #tpu.memory_space<vmem>> -> memref<1x128x64xf32, #tpu.memory_space<vmem>>
    %dma_start3A_23 = tpu.memref_squeeze %dma_start3A_22 : memref<1x128x64xf32, #tpu.memory_space<vmem>> -> memref<128x64xf32, #tpu.memory_space<vmem>>
    %dma_start3A_24 = arith.constant 0 : i32
    %dma_start3A_25 = tpu.memref_slice %arg5[%dma_start3A_17, %dma_start3A_24] : memref<200x128xi32, #tpu.memory_space<vmem>> -> memref<1x128xi32, #tpu.memory_space<vmem>>
    %dma_start3A_26 = tpu.memref_squeeze %dma_start3A_25 : memref<1x128xi32, #tpu.memory_space<vmem>> -> memref<128xi32, #tpu.memory_space<vmem>>
    %dma_start3A_27 = arith.constant 0 : i32
    %dma_start3A_28 = arith.constant 0 : i32
    %dma_start3A_29 = tpu.memref_slice %arg2[%dma_start3A_27, %dma_start3A_28] : memref<1000000x64xf32, #tpu.memory_space<hbm>> -> memref<1000000x64xf32, #tpu.memory_space<hbm>>
    %dma_start3A_30 = tpu.memref_slice %arg7[%dma_start3A_19] : memref<3x!tpu.dma_semaphore, #tpu.memory_space<semaphore_mem>> -> memref<1x!tpu.dma_semaphore, #tpu.memory_space<semaphore_mem>>
    %dma_start3A_31 = tpu.memref_squeeze %dma_start3A_30 : memref<1x!tpu.dma_semaphore, #tpu.memory_space<semaphore_mem>> -> memref<!tpu.dma_semaphore, #tpu.memory_space<semaphore_mem>>
    tpu.enqueue_indirect_dma source(%dma_start3A_29 : memref<1000000x64xf32, #tpu.memory_space<hbm>>) target(%dma_start3A_23 : memref<128x64xf32, #tpu.memory_space<vmem>>) offsets(%dma_start3A_26 : memref<128xi32, #tpu.memory_space<vmem>>) semaphore(%dma_start3A_31 : memref<!tpu.dma_semaphore, #tpu.memory_space<semaphore_mem>>)
    %dma_start3A_32 = arith.constant 2 : i32
    %dma_start3A_33 = arith.constant 0 : i32
    %dma_start3A_34 = arith.constant 0 : i32
    %dma_start3A_35 = arith.constant 256 : i32
    %dma_start3A_36 = arith.constant 0 : i32
    %dma_start3A_37 = tpu.memref_slice %arg6[%dma_start3A_33, %dma_start3A_35, %dma_start3A_36] : memref<3x512x64xf32, #tpu.memory_space<vmem>> -> memref<1x128x64xf32, #tpu.memory_space<vmem>>
    %dma_start3A_38 = tpu.memref_squeeze %dma_start3A_37 : memref<1x128x64xf32, #tpu.memory_space<vmem>> -> memref<128x64xf32, #tpu.memory_space<vmem>>
    %dma_start3A_39 = arith.constant 0 : i32
    %dma_start3A_40 = tpu.memref_slice %arg5[%dma_start3A_32, %dma_start3A_39] : memref<200x128xi32, #tpu.memory_space<vmem>> -> memref<1x128xi32, #tpu.memory_space<vmem>>
    %dma_start3A_41 = tpu.memref_squeeze %dma_start3A_40 : memref<1x128xi32, #tpu.memory_space<vmem>> -> memref<128xi32, #tpu.memory_space<vmem>>
    %dma_start3A_42 = arith.constant 0 : i32
    %dma_start3A_43 = arith.constant 0 : i32
    %dma_start3A_44 = tpu.memref_slice %arg2[%dma_start3A_42, %dma_start3A_43] : memref<1000000x64xf32, #tpu.memory_space<hbm>> -> memref<1000000x64xf32, #tpu.memory_space<hbm>>
    %dma_start3A_45 = tpu.memref_slice %arg7[%dma_start3A_34] : memref<3x!tpu.dma_semaphore, #tpu.memory_space<semaphore_mem>> -> memref<1x!tpu.dma_semaphore, #tpu.memory_space<semaphore_mem>>
    %dma_start3A_46 = tpu.memref_squeeze %dma_start3A_45 : memref<1x!tpu.dma_semaphore, #tpu.memory_space<semaphore_mem>> -> memref<!tpu.dma_semaphore, #tpu.memory_space<semaphore_mem>>
    tpu.enqueue_indirect_dma source(%dma_start3A_44 : memref<1000000x64xf32, #tpu.memory_space<hbm>>) target(%dma_start3A_38 : memref<128x64xf32, #tpu.memory_space<vmem>>) offsets(%dma_start3A_41 : memref<128xi32, #tpu.memory_space<vmem>>) semaphore(%dma_start3A_46 : memref<!tpu.dma_semaphore, #tpu.memory_space<semaphore_mem>>)
    %dma_start3A_47 = arith.constant 3 : i32
    %dma_start3A_48 = arith.constant 0 : i32
    %dma_start3A_49 = arith.constant 0 : i32
    %dma_start3A_50 = arith.constant 384 : i32
    %dma_start3A_51 = arith.constant 0 : i32
    %dma_start3A_52 = tpu.memref_slice %arg6[%dma_start3A_48, %dma_start3A_50, %dma_start3A_51] : memref<3x512x64xf32, #tpu.memory_space<vmem>> -> memref<1x128x64xf32, #tpu.memory_space<vmem>>
    %dma_start3A_53 = tpu.memref_squeeze %dma_start3A_52 : memref<1x128x64xf32, #tpu.memory_space<vmem>> -> memref<128x64xf32, #tpu.memory_space<vmem>>
    %dma_start3A_54 = arith.constant 0 : i32
    %dma_start3A_55 = tpu.memref_slice %arg5[%dma_start3A_47, %dma_start3A_54] : memref<200x128xi32, #tpu.memory_space<vmem>> -> memref<1x128xi32, #tpu.memory_space<vmem>>
    %dma_start3A_56 = tpu.memref_squeeze %dma_start3A_55 : memref<1x128xi32, #tpu.memory_space<vmem>> -> memref<128xi32, #tpu.memory_space<vmem>>
    %dma_start3A_57 = arith.constant 0 : i32
    %dma_start3A_58 = arith.constant 0 : i32
    %dma_start3A_59 = tpu.memref_slice %arg2[%dma_start3A_57, %dma_start3A_58] : memref<1000000x64xf32, #tpu.memory_space<hbm>> -> memref<1000000x64xf32, #tpu.memory_space<hbm>>
    %dma_start3A_60 = tpu.memref_slice %arg7[%dma_start3A_49] : memref<3x!tpu.dma_semaphore, #tpu.memory_space<semaphore_mem>> -> memref<1x!tpu.dma_semaphore, #tpu.memory_space<semaphore_mem>>
    %dma_start3A_61 = tpu.memref_squeeze %dma_start3A_60 : memref<1x!tpu.dma_semaphore, #tpu.memory_space<semaphore_mem>> -> memref<!tpu.dma_semaphore, #tpu.memory_space<semaphore_mem>>
    tpu.enqueue_indirect_dma source(%dma_start3A_59 : memref<1000000x64xf32, #tpu.memory_space<hbm>>) target(%dma_start3A_53 : memref<128x64xf32, #tpu.memory_space<vmem>>) offsets(%dma_start3A_56 : memref<128xi32, #tpu.memory_space<vmem>>) semaphore(%dma_start3A_61 : memref<!tpu.dma_semaphore, #tpu.memory_space<semaphore_mem>>)
    %dma_start3A_62 = arith.constant 4 : i32
    %dma_start3A_63 = arith.constant 1 : i32
    %dma_start3A_64 = arith.constant 1 : i32
    %dma_start3A_65 = arith.constant 0 : i32
    %dma_start3A_66 = arith.constant 0 : i32
    %dma_start3A_67 = tpu.memref_slice %arg6[%dma_start3A_63, %dma_start3A_65, %dma_start3A_66] : memref<3x512x64xf32, #tpu.memory_space<vmem>> -> memref<1x128x64xf32, #tpu.memory_space<vmem>>
    %dma_start3A_68 = tpu.memref_squeeze %dma_start3A_67 : memref<1x128x64xf32, #tpu.memory_space<vmem>> -> memref<128x64xf32, #tpu.memory_space<vmem>>
    %dma_start3A_69 = arith.constant 0 : i32
    %dma_start3A_70 = tpu.memref_slice %arg5[%dma_start3A_62, %dma_start3A_69] : memref<200x128xi32, #tpu.memory_space<vmem>> -> memref<1x128xi32, #tpu.memory_space<vmem>>
    %dma_start3A_71 = tpu.memref_squeeze %dma_start3A_70 : memref<1x128xi32, #tpu.memory_space<vmem>> -> memref<128xi32, #tpu.memory_space<vmem>>
    %dma_start3A_72 = arith.constant 0 : i32
    %dma_start3A_73 = arith.constant 0 : i32
    %dma_start3A_74 = tpu.memref_slice %arg2[%dma_start3A_72, %dma_start3A_73] : memref<1000000x64xf32, #tpu.memory_space<hbm>> -> memref<1000000x64xf32, #tpu.memory_space<hbm>>
    %dma_start3A_75 = tpu.memref_slice %arg7[%dma_start3A_64] : memref<3x!tpu.dma_semaphore, #tpu.memory_space<semaphore_mem>> -> memref<1x!tpu.dma_semaphore, #tpu.memory_space<semaphore_mem>>
    %dma_start3A_76 = tpu.memref_squeeze %dma_start3A_75 : memref<1x!tpu.dma_semaphore, #tpu.memory_space<semaphore_mem>> -> memref<!tpu.dma_semaphore, #tpu.memory_space<semaphore_mem>>
    tpu.enqueue_indirect_dma source(%dma_start3A_74 : memref<1000000x64xf32, #tpu.memory_space<hbm>>) target(%dma_start3A_68 : memref<128x64xf32, #tpu.memory_space<vmem>>) offsets(%dma_start3A_71 : memref<128xi32, #tpu.memory_space<vmem>>) semaphore(%dma_start3A_76 : memref<!tpu.dma_semaphore, #tpu.memory_space<semaphore_mem>>)
    %dma_start3A_77 = arith.constant 5 : i32
    %dma_start3A_78 = arith.constant 1 : i32
    %dma_start3A_79 = arith.constant 1 : i32
    %dma_start3A_80 = arith.constant 128 : i32
    %dma_start3A_81 = arith.constant 0 : i32
    %dma_start3A_82 = tpu.memref_slice %arg6[%dma_start3A_78, %dma_start3A_80, %dma_start3A_81] : memref<3x512x64xf32, #tpu.memory_space<vmem>> -> memref<1x128x64xf32, #tpu.memory_space<vmem>>
    %dma_start3A_83 = tpu.memref_squeeze %dma_start3A_82 : memref<1x128x64xf32, #tpu.memory_space<vmem>> -> memref<128x64xf32, #tpu.memory_space<vmem>>
    %dma_start3A_84 = arith.constant 0 : i32
    %dma_start3A_85 = tpu.memref_slice %arg5[%dma_start3A_77, %dma_start3A_84] : memref<200x128xi32, #tpu.memory_space<vmem>> -> memref<1x128xi32, #tpu.memory_space<vmem>>
    %dma_start3A_86 = tpu.memref_squeeze %dma_start3A_85 : memref<1x128xi32, #tpu.memory_space<vmem>> -> memref<128xi32, #tpu.memory_space<vmem>>
    %dma_start3A_87 = arith.constant 0 : i32
    %dma_start3A_88 = arith.constant 0 : i32
    %dma_start3A_89 = tpu.memref_slice %arg2[%dma_start3A_87, %dma_start3A_88] : memref<1000000x64xf32, #tpu.memory_space<hbm>> -> memref<1000000x64xf32, #tpu.memory_space<hbm>>
    %dma_start3A_90 = tpu.memref_slice %arg7[%dma_start3A_79] : memref<3x!tpu.dma_semaphore, #tpu.memory_space<semaphore_mem>> -> memref<1x!tpu.dma_semaphore, #tpu.memory_space<semaphore_mem>>
    %dma_start3A_91 = tpu.memref_squeeze %dma_start3A_90 : memref<1x!tpu.dma_semaphore, #tpu.memory_space<semaphore_mem>> -> memref<!tpu.dma_semaphore, #tpu.memory_space<semaphore_mem>>
    tpu.enqueue_indirect_dma source(%dma_start3A_89 : memref<1000000x64xf32, #tpu.memory_space<hbm>>) target(%dma_start3A_83 : memref<128x64xf32, #tpu.memory_space<vmem>>) offsets(%dma_start3A_86 : memref<128xi32, #tpu.memory_space<vmem>>) semaphore(%dma_start3A_91 : memref<!tpu.dma_semaphore, #tpu.memory_space<semaphore_mem>>)
    %dma_start3A_92 = arith.constant 6 : i32
    %dma_start3A_93 = arith.constant 1 : i32
    %dma_start3A_94 = arith.constant 1 : i32
    %dma_start3A_95 = arith.constant 256 : i32
    %dma_start3A_96 = arith.constant 0 : i32
    %dma_start3A_97 = tpu.memref_slice %arg6[%dma_start3A_93, %dma_start3A_95, %dma_start3A_96] : memref<3x512x64xf32, #tpu.memory_space<vmem>> -> memref<1x128x64xf32, #tpu.memory_space<vmem>>
    %dma_start3A_98 = tpu.memref_squeeze %dma_start3A_97 : memref<1x128x64xf32, #tpu.memory_space<vmem>> -> memref<128x64xf32, #tpu.memory_space<vmem>>
    %dma_start3A_99 = arith.constant 0 : i32
    %dma_start3A_100 = tpu.memref_slice %arg5[%dma_start3A_92, %dma_start3A_99] : memref<200x128xi32, #tpu.memory_space<vmem>> -> memref<1x128xi32, #tpu.memory_space<vmem>>
    %dma_start3A_101 = tpu.memref_squeeze %dma_start3A_100 : memref<1x128xi32, #tpu.memory_space<vmem>> -> memref<128xi32, #tpu.memory_space<vmem>>
    %dma_start3A_102 = arith.constant 0 : i32
    %dma_start3A_103 = arith.constant 0 : i32
    %dma_start3A_104 = tpu.memref_slice %arg2[%dma_start3A_102, %dma_start3A_103] : memref<1000000x64xf32, #tpu.memory_space<hbm>> -> memref<1000000x64xf32, #tpu.memory_space<hbm>>
    %dma_start3A_105 = tpu.memref_slice %arg7[%dma_start3A_94] : memref<3x!tpu.dma_semaphore, #tpu.memory_space<semaphore_mem>> -> memref<1x!tpu.dma_semaphore, #tpu.memory_space<semaphore_mem>>
    %dma_start3A_106 = tpu.memref_squeeze %dma_start3A_105 : memref<1x!tpu.dma_semaphore, #tpu.memory_space<semaphore_mem>> -> memref<!tpu.dma_semaphore, #tpu.memory_space<semaphore_mem>>
    tpu.enqueue_indirect_dma source(%dma_start3A_104 : memref<1000000x64xf32, #tpu.memory_space<hbm>>) target(%dma_start3A_98 : memref<128x64xf32, #tpu.memory_space<vmem>>) offsets(%dma_start3A_101 : memref<128xi32, #tpu.memory_space<vmem>>) semaphore(%dma_start3A_106 : memref<!tpu.dma_semaphore, #tpu.memory_space<semaphore_mem>>)
    %dma_start3A_107 = arith.constant 7 : i32
    %dma_start3A_108 = arith.constant 1 : i32
    %dma_start3A_109 = arith.constant 1 : i32
    %dma_start3A_110 = arith.constant 384 : i32
    %dma_start3A_111 = arith.constant 0 : i32
    %dma_start3A_112 = tpu.memref_slice %arg6[%dma_start3A_108, %dma_start3A_110, %dma_start3A_111] : memref<3x512x64xf32, #tpu.memory_space<vmem>> -> memref<1x128x64xf32, #tpu.memory_space<vmem>>
    %dma_start3A_113 = tpu.memref_squeeze %dma_start3A_112 : memref<1x128x64xf32, #tpu.memory_space<vmem>> -> memref<128x64xf32, #tpu.memory_space<vmem>>
    %dma_start3A_114 = arith.constant 0 : i32
    %dma_start3A_115 = tpu.memref_slice %arg5[%dma_start3A_107, %dma_start3A_114] : memref<200x128xi32, #tpu.memory_space<vmem>> -> memref<1x128xi32, #tpu.memory_space<vmem>>
    %dma_start3A_116 = tpu.memref_squeeze %dma_start3A_115 : memref<1x128xi32, #tpu.memory_space<vmem>> -> memref<128xi32, #tpu.memory_space<vmem>>
    %dma_start3A_117 = arith.constant 0 : i32
    %dma_start3A_118 = arith.constant 0 : i32
    %dma_start3A_119 = tpu.memref_slice %arg2[%dma_start3A_117, %dma_start3A_118] : memref<1000000x64xf32, #tpu.memory_space<hbm>> -> memref<1000000x64xf32, #tpu.memory_space<hbm>>
    %dma_start3A_120 = tpu.memref_slice %arg7[%dma_start3A_109] : memref<3x!tpu.dma_semaphore, #tpu.memory_space<semaphore_mem>> -> memref<1x!tpu.dma_semaphore, #tpu.memory_space<semaphore_mem>>
    %dma_start3A_121 = tpu.memref_squeeze %dma_start3A_120 : memref<1x!tpu.dma_semaphore, #tpu.memory_space<semaphore_mem>> -> memref<!tpu.dma_semaphore, #tpu.memory_space<semaphore_mem>>
    tpu.enqueue_indirect_dma source(%dma_start3A_119 : memref<1000000x64xf32, #tpu.memory_space<hbm>>) target(%dma_start3A_113 : memref<128x64xf32, #tpu.memory_space<vmem>>) offsets(%dma_start3A_116 : memref<128xi32, #tpu.memory_space<vmem>>) semaphore(%dma_start3A_121 : memref<!tpu.dma_semaphore, #tpu.memory_space<semaphore_mem>>)
    %dma_start3A_122 = arith.constant 8 : i32
    %dma_start3A_123 = arith.constant 2 : i32
    %dma_start3A_124 = arith.constant 2 : i32
    %dma_start3A_125 = arith.constant 0 : i32
    %dma_start3A_126 = arith.constant 0 : i32
    %dma_start3A_127 = tpu.memref_slice %arg6[%dma_start3A_123, %dma_start3A_125, %dma_start3A_126] : memref<3x512x64xf32, #tpu.memory_space<vmem>> -> memref<1x128x64xf32, #tpu.memory_space<vmem>>
    %dma_start3A_128 = tpu.memref_squeeze %dma_start3A_127 : memref<1x128x64xf32, #tpu.memory_space<vmem>> -> memref<128x64xf32, #tpu.memory_space<vmem>>
    %dma_start3A_129 = arith.constant 0 : i32
    %dma_start3A_130 = tpu.memref_slice %arg5[%dma_start3A_122, %dma_start3A_129] : memref<200x128xi32, #tpu.memory_space<vmem>> -> memref<1x128xi32, #tpu.memory_space<vmem>>
    %dma_start3A_131 = tpu.memref_squeeze %dma_start3A_130 : memref<1x128xi32, #tpu.memory_space<vmem>> -> memref<128xi32, #tpu.memory_space<vmem>>
    %dma_start3A_132 = arith.constant 0 : i32
    %dma_start3A_133 = arith.constant 0 : i32
    %dma_start3A_134 = tpu.memref_slice %arg2[%dma_start3A_132, %dma_start3A_133] : memref<1000000x64xf32, #tpu.memory_space<hbm>> -> memref<1000000x64xf32, #tpu.memory_space<hbm>>
    %dma_start3A_135 = tpu.memref_slice %arg7[%dma_start3A_124] : memref<3x!tpu.dma_semaphore, #tpu.memory_space<semaphore_mem>> -> memref<1x!tpu.dma_semaphore, #tpu.memory_space<semaphore_mem>>
    %dma_start3A_136 = tpu.memref_squeeze %dma_start3A_135 : memref<1x!tpu.dma_semaphore, #tpu.memory_space<semaphore_mem>> -> memref<!tpu.dma_semaphore, #tpu.memory_space<semaphore_mem>>
    tpu.enqueue_indirect_dma source(%dma_start3A_134 : memref<1000000x64xf32, #tpu.memory_space<hbm>>) target(%dma_start3A_128 : memref<128x64xf32, #tpu.memory_space<vmem>>) offsets(%dma_start3A_131 : memref<128xi32, #tpu.memory_space<vmem>>) semaphore(%dma_start3A_136 : memref<!tpu.dma_semaphore, #tpu.memory_space<semaphore_mem>>)
    %dma_start3A_137 = arith.constant 9 : i32
    %dma_start3A_138 = arith.constant 2 : i32
    %dma_start3A_139 = arith.constant 2 : i32
    %dma_start3A_140 = arith.constant 128 : i32
    %dma_start3A_141 = arith.constant 0 : i32
    %dma_start3A_142 = tpu.memref_slice %arg6[%dma_start3A_138, %dma_start3A_140, %dma_start3A_141] : memref<3x512x64xf32, #tpu.memory_space<vmem>> -> memref<1x128x64xf32, #tpu.memory_space<vmem>>
    %dma_start3A_143 = tpu.memref_squeeze %dma_start3A_142 : memref<1x128x64xf32, #tpu.memory_space<vmem>> -> memref<128x64xf32, #tpu.memory_space<vmem>>
    %dma_start3A_144 = arith.constant 0 : i32
    %dma_start3A_145 = tpu.memref_slice %arg5[%dma_start3A_137, %dma_start3A_144] : memref<200x128xi32, #tpu.memory_space<vmem>> -> memref<1x128xi32, #tpu.memory_space<vmem>>
    %dma_start3A_146 = tpu.memref_squeeze %dma_start3A_145 : memref<1x128xi32, #tpu.memory_space<vmem>> -> memref<128xi32, #tpu.memory_space<vmem>>
    %dma_start3A_147 = arith.constant 0 : i32
    %dma_start3A_148 = arith.constant 0 : i32
    %dma_start3A_149 = tpu.memref_slice %arg2[%dma_start3A_147, %dma_start3A_148] : memref<1000000x64xf32, #tpu.memory_space<hbm>> -> memref<1000000x64xf32, #tpu.memory_space<hbm>>
    %dma_start3A_150 = tpu.memref_slice %arg7[%dma_start3A_139] : memref<3x!tpu.dma_semaphore, #tpu.memory_space<semaphore_mem>> -> memref<1x!tpu.dma_semaphore, #tpu.memory_space<semaphore_mem>>
    %dma_start3A_151 = tpu.memref_squeeze %dma_start3A_150 : memref<1x!tpu.dma_semaphore, #tpu.memory_space<semaphore_mem>> -> memref<!tpu.dma_semaphore, #tpu.memory_space<semaphore_mem>>
    tpu.enqueue_indirect_dma source(%dma_start3A_149 : memref<1000000x64xf32, #tpu.memory_space<hbm>>) target(%dma_start3A_143 : memref<128x64xf32, #tpu.memory_space<vmem>>) offsets(%dma_start3A_146 : memref<128xi32, #tpu.memory_space<vmem>>) semaphore(%dma_start3A_151 : memref<!tpu.dma_semaphore, #tpu.memory_space<semaphore_mem>>)
    %dma_start3A_152 = arith.constant 10 : i32
    %dma_start3A_153 = arith.constant 2 : i32
    %dma_start3A_154 = arith.constant 2 : i32
    %dma_start3A_155 = arith.constant 256 : i32
    %dma_start3A_156 = arith.constant 0 : i32
    %dma_start3A_157 = tpu.memref_slice %arg6[%dma_start3A_153, %dma_start3A_155, %dma_start3A_156] : memref<3x512x64xf32, #tpu.memory_space<vmem>> -> memref<1x128x64xf32, #tpu.memory_space<vmem>>
    %dma_start3A_158 = tpu.memref_squeeze %dma_start3A_157 : memref<1x128x64xf32, #tpu.memory_space<vmem>> -> memref<128x64xf32, #tpu.memory_space<vmem>>
    %dma_start3A_159 = arith.constant 0 : i32
    %dma_start3A_160 = tpu.memref_slice %arg5[%dma_start3A_152, %dma_start3A_159] : memref<200x128xi32, #tpu.memory_space<vmem>> -> memref<1x128xi32, #tpu.memory_space<vmem>>
    %dma_start3A_161 = tpu.memref_squeeze %dma_start3A_160 : memref<1x128xi32, #tpu.memory_space<vmem>> -> memref<128xi32, #tpu.memory_space<vmem>>
    %dma_start3A_162 = arith.constant 0 : i32
    %dma_start3A_163 = arith.constant 0 : i32
    %dma_start3A_164 = tpu.memref_slice %arg2[%dma_start3A_162, %dma_start3A_163] : memref<1000000x64xf32, #tpu.memory_space<hbm>> -> memref<1000000x64xf32, #tpu.memory_space<hbm>>
    %dma_start3A_165 = tpu.memref_slice %arg7[%dma_start3A_154] : memref<3x!tpu.dma_semaphore, #tpu.memory_space<semaphore_mem>> -> memref<1x!tpu.dma_semaphore, #tpu.memory_space<semaphore_mem>>
    %dma_start3A_166 = tpu.memref_squeeze %dma_start3A_165 : memref<1x!tpu.dma_semaphore, #tpu.memory_space<semaphore_mem>> -> memref<!tpu.dma_semaphore, #tpu.memory_space<semaphore_mem>>
    tpu.enqueue_indirect_dma source(%dma_start3A_164 : memref<1000000x64xf32, #tpu.memory_space<hbm>>) target(%dma_start3A_158 : memref<128x64xf32, #tpu.memory_space<vmem>>) offsets(%dma_start3A_161 : memref<128xi32, #tpu.memory_space<vmem>>) semaphore(%dma_start3A_166 : memref<!tpu.dma_semaphore, #tpu.memory_space<semaphore_mem>>)
    %dma_start3A_167 = arith.constant 11 : i32
    %dma_start3A_168 = arith.constant 2 : i32
    %dma_start3A_169 = arith.constant 2 : i32
    %dma_start3A_170 = arith.constant 384 : i32
    %dma_start3A_171 = arith.constant 0 : i32
    %dma_start3A_172 = tpu.memref_slice %arg6[%dma_start3A_168, %dma_start3A_170, %dma_start3A_171] : memref<3x512x64xf32, #tpu.memory_space<vmem>> -> memref<1x128x64xf32, #tpu.memory_space<vmem>>
    %dma_start3A_173 = tpu.memref_squeeze %dma_start3A_172 : memref<1x128x64xf32, #tpu.memory_space<vmem>> -> memref<128x64xf32, #tpu.memory_space<vmem>>
    %dma_start3A_174 = arith.constant 0 : i32
    %dma_start3A_175 = tpu.memref_slice %arg5[%dma_start3A_167, %dma_start3A_174] : memref<200x128xi32, #tpu.memory_space<vmem>> -> memref<1x128xi32, #tpu.memory_space<vmem>>
    %dma_start3A_176 = tpu.memref_squeeze %dma_start3A_175 : memref<1x128xi32, #tpu.memory_space<vmem>> -> memref<128xi32, #tpu.memory_space<vmem>>
    %dma_start3A_177 = arith.constant 0 : i32
    %dma_start3A_178 = arith.constant 0 : i32
    %dma_start3A_179 = tpu.memref_slice %arg2[%dma_start3A_177, %dma_start3A_178] : memref<1000000x64xf32, #tpu.memory_space<hbm>> -> memref<1000000x64xf32, #tpu.memory_space<hbm>>
    %dma_start3A_180 = tpu.memref_slice %arg7[%dma_start3A_169] : memref<3x!tpu.dma_semaphore, #tpu.memory_space<semaphore_mem>> -> memref<1x!tpu.dma_semaphore, #tpu.memory_space<semaphore_mem>>
    %dma_start3A_181 = tpu.memref_squeeze %dma_start3A_180 : memref<1x!tpu.dma_semaphore, #tpu.memory_space<semaphore_mem>> -> memref<!tpu.dma_semaphore, #tpu.memory_space<semaphore_mem>>
    tpu.enqueue_indirect_dma source(%dma_start3A_179 : memref<1000000x64xf32, #tpu.memory_space<hbm>>) target(%dma_start3A_173 : memref<128x64xf32, #tpu.memory_space<vmem>>) offsets(%dma_start3A_176 : memref<128xi32, #tpu.memory_space<vmem>>) semaphore(%dma_start3A_181 : memref<!tpu.dma_semaphore, #tpu.memory_space<semaphore_mem>>)
    %scan3A = arith.constant 0 : i32
    %scan3A_182 = arith.constant 0 : i32
    %scan3A_183 = arith.constant 50 : i32
    %scan3A_184 = arith.addi %scan3A_182, %scan3A_183 : i32
    %scan3A_185 = arith.constant 1 : i32
    scf.for %scan3A_234 = %scan3A_182 to %scan3A_184 step %scan3A_185  : i32 {
      %rem3A = arith.constant 3 : i32
      %rem3A_235 = arith.remsi %scan3A_234, %rem3A : i32
      %dma_wait3A_236 = arith.constant 0 : i32
      %dma_wait3A_237 = arith.constant 0 : i32
      %dma_wait3A_238 = arith.constant 0 : i32
      %dma_wait3A_239 = tpu.memref_slice %arg6[%rem3A_235, %dma_wait3A_237, %dma_wait3A_238] : memref<3x512x64xf32, #tpu.memory_space<vmem>> -> memref<1x128x64xf32, #tpu.memory_space<vmem>>
      %dma_wait3A_240 = tpu.memref_squeeze %dma_wait3A_239 : memref<1x128x64xf32, #tpu.memory_space<vmem>> -> memref<128x64xf32, #tpu.memory_space<vmem>>
      %dma_wait3A_241 = arith.constant 0 : i32
      %dma_wait3A_242 = tpu.memref_slice %arg5[%dma_wait3A_236, %dma_wait3A_241] : memref<200x128xi32, #tpu.memory_space<vmem>> -> memref<1x128xi32, #tpu.memory_space<vmem>>
      %dma_wait3A_243 = tpu.memref_squeeze %dma_wait3A_242 : memref<1x128xi32, #tpu.memory_space<vmem>> -> memref<128xi32, #tpu.memory_space<vmem>>
      %dma_wait3A_244 = arith.constant 0 : i32
      %dma_wait3A_245 = arith.constant 0 : i32
      %dma_wait3A_246 = tpu.memref_slice %arg2[%dma_wait3A_244, %dma_wait3A_245] : memref<1000000x64xf32, #tpu.memory_space<hbm>> -> memref<1000000x64xf32, #tpu.memory_space<hbm>>
      %dma_wait3A_247 = tpu.memref_slice %arg7[%rem3A_235] : memref<3x!tpu.dma_semaphore, #tpu.memory_space<semaphore_mem>> -> memref<1x!tpu.dma_semaphore, #tpu.memory_space<semaphore_mem>>
      %dma_wait3A_248 = tpu.memref_squeeze %dma_wait3A_247 : memref<1x!tpu.dma_semaphore, #tpu.memory_space<semaphore_mem>> -> memref<!tpu.dma_semaphore, #tpu.memory_space<semaphore_mem>>
      tpu.wait_indirect_dma semaphore(%dma_wait3A_248 : memref<!tpu.dma_semaphore, #tpu.memory_space<semaphore_mem>>) src(%dma_wait3A_246 : memref<1000000x64xf32, #tpu.memory_space<hbm>>) dst(%dma_wait3A_240 : memref<128x64xf32, #tpu.memory_space<vmem>>)
      %dma_wait3A_249 = arith.constant 0 : i32
      %dma_wait3A_250 = arith.constant 128 : i32
      %dma_wait3A_251 = arith.constant 0 : i32
      %dma_wait3A_252 = tpu.memref_slice %arg6[%rem3A_235, %dma_wait3A_250, %dma_wait3A_251] : memref<3x512x64xf32, #tpu.memory_space<vmem>> -> memref<1x128x64xf32, #tpu.memory_space<vmem>>
      %dma_wait3A_253 = tpu.memref_squeeze %dma_wait3A_252 : memref<1x128x64xf32, #tpu.memory_space<vmem>> -> memref<128x64xf32, #tpu.memory_space<vmem>>
      %dma_wait3A_254 = arith.constant 0 : i32
      %dma_wait3A_255 = tpu.memref_slice %arg5[%dma_wait3A_249, %dma_wait3A_254] : memref<200x128xi32, #tpu.memory_space<vmem>> -> memref<1x128xi32, #tpu.memory_space<vmem>>
      %dma_wait3A_256 = tpu.memref_squeeze %dma_wait3A_255 : memref<1x128xi32, #tpu.memory_space<vmem>> -> memref<128xi32, #tpu.memory_space<vmem>>
      %dma_wait3A_257 = arith.constant 0 : i32
      %dma_wait3A_258 = arith.constant 0 : i32
      %dma_wait3A_259 = tpu.memref_slice %arg2[%dma_wait3A_257, %dma_wait3A_258] : memref<1000000x64xf32, #tpu.memory_space<hbm>> -> memref<1000000x64xf32, #tpu.memory_space<hbm>>
      %dma_wait3A_260 = tpu.memref_slice %arg7[%rem3A_235] : memref<3x!tpu.dma_semaphore, #tpu.memory_space<semaphore_mem>> -> memref<1x!tpu.dma_semaphore, #tpu.memory_space<semaphore_mem>>
      %dma_wait3A_261 = tpu.memref_squeeze %dma_wait3A_260 : memref<1x!tpu.dma_semaphore, #tpu.memory_space<semaphore_mem>> -> memref<!tpu.dma_semaphore, #tpu.memory_space<semaphore_mem>>
      tpu.wait_indirect_dma semaphore(%dma_wait3A_261 : memref<!tpu.dma_semaphore, #tpu.memory_space<semaphore_mem>>) src(%dma_wait3A_259 : memref<1000000x64xf32, #tpu.memory_space<hbm>>) dst(%dma_wait3A_253 : memref<128x64xf32, #tpu.memory_space<vmem>>)
      %dma_wait3A_262 = arith.constant 0 : i32
      %dma_wait3A_263 = arith.constant 256 : i32
      %dma_wait3A_264 = arith.constant 0 : i32
      %dma_wait3A_265 = tpu.memref_slice %arg6[%rem3A_235, %dma_wait3A_263, %dma_wait3A_264] : memref<3x512x64xf32, #tpu.memory_space<vmem>> -> memref<1x128x64xf32, #tpu.memory_space<vmem>>
      %dma_wait3A_266 = tpu.memref_squeeze %dma_wait3A_265 : memref<1x128x64xf32, #tpu.memory_space<vmem>> -> memref<128x64xf32, #tpu.memory_space<vmem>>
      %dma_wait3A_267 = arith.constant 0 : i32
      %dma_wait3A_268 = tpu.memref_slice %arg5[%dma_wait3A_262, %dma_wait3A_267] : memref<200x128xi32, #tpu.memory_space<vmem>> -> memref<1x128xi32, #tpu.memory_space<vmem>>
      %dma_wait3A_269 = tpu.memref_squeeze %dma_wait3A_268 : memref<1x128xi32, #tpu.memory_space<vmem>> -> memref<128xi32, #tpu.memory_space<vmem>>
      %dma_wait3A_270 = arith.constant 0 : i32
      %dma_wait3A_271 = arith.constant 0 : i32
      %dma_wait3A_272 = tpu.memref_slice %arg2[%dma_wait3A_270, %dma_wait3A_271] : memref<1000000x64xf32, #tpu.memory_space<hbm>> -> memref<1000000x64xf32, #tpu.memory_space<hbm>>
      %dma_wait3A_273 = tpu.memref_slice %arg7[%rem3A_235] : memref<3x!tpu.dma_semaphore, #tpu.memory_space<semaphore_mem>> -> memref<1x!tpu.dma_semaphore, #tpu.memory_space<semaphore_mem>>
      %dma_wait3A_274 = tpu.memref_squeeze %dma_wait3A_273 : memref<1x!tpu.dma_semaphore, #tpu.memory_space<semaphore_mem>> -> memref<!tpu.dma_semaphore, #tpu.memory_space<semaphore_mem>>
      tpu.wait_indirect_dma semaphore(%dma_wait3A_274 : memref<!tpu.dma_semaphore, #tpu.memory_space<semaphore_mem>>) src(%dma_wait3A_272 : memref<1000000x64xf32, #tpu.memory_space<hbm>>) dst(%dma_wait3A_266 : memref<128x64xf32, #tpu.memory_space<vmem>>)
      %dma_wait3A_275 = arith.constant 0 : i32
      %dma_wait3A_276 = arith.constant 384 : i32
      %dma_wait3A_277 = arith.constant 0 : i32
      %dma_wait3A_278 = tpu.memref_slice %arg6[%rem3A_235, %dma_wait3A_276, %dma_wait3A_277] : memref<3x512x64xf32, #tpu.memory_space<vmem>> -> memref<1x128x64xf32, #tpu.memory_space<vmem>>
      %dma_wait3A_279 = tpu.memref_squeeze %dma_wait3A_278 : memref<1x128x64xf32, #tpu.memory_space<vmem>> -> memref<128x64xf32, #tpu.memory_space<vmem>>
      %dma_wait3A_280 = arith.constant 0 : i32
      %dma_wait3A_281 = tpu.memref_slice %arg5[%dma_wait3A_275, %dma_wait3A_280] : memref<200x128xi32, #tpu.memory_space<vmem>> -> memref<1x128xi32, #tpu.memory_space<vmem>>
      %dma_wait3A_282 = tpu.memref_squeeze %dma_wait3A_281 : memref<1x128xi32, #tpu.memory_space<vmem>> -> memref<128xi32, #tpu.memory_space<vmem>>
      %dma_wait3A_283 = arith.constant 0 : i32
      %dma_wait3A_284 = arith.constant 0 : i32
      %dma_wait3A_285 = tpu.memref_slice %arg2[%dma_wait3A_283, %dma_wait3A_284] : memref<1000000x64xf32, #tpu.memory_space<hbm>> -> memref<1000000x64xf32, #tpu.memory_space<hbm>>
      %dma_wait3A_286 = tpu.memref_slice %arg7[%rem3A_235] : memref<3x!tpu.dma_semaphore, #tpu.memory_space<semaphore_mem>> -> memref<1x!tpu.dma_semaphore, #tpu.memory_space<semaphore_mem>>
      %dma_wait3A_287 = tpu.memref_squeeze %dma_wait3A_286 : memref<1x!tpu.dma_semaphore, #tpu.memory_space<semaphore_mem>> -> memref<!tpu.dma_semaphore, #tpu.memory_space<semaphore_mem>>
      tpu.wait_indirect_dma semaphore(%dma_wait3A_287 : memref<!tpu.dma_semaphore, #tpu.memory_space<semaphore_mem>>) src(%dma_wait3A_285 : memref<1000000x64xf32, #tpu.memory_space<hbm>>) dst(%dma_wait3A_279 : memref<128x64xf32, #tpu.memory_space<vmem>>)
      %mul3A_288 = arith.constant 512 : i32
      %mul3A_289 = arith.muli %scan3A_234, %mul3A_288 : i32
      %add3A_290 = arith.addi %mul3A_2, %mul3A_289 : i32
      %dma_start3A_291 = arith.constant 0 : i32
      %dma_start3A_292 = arith.constant 0 : i32
      %dma_start3A_293 = tpu.memref_slice %arg6[%rem3A_235, %dma_start3A_291, %dma_start3A_292] : memref<3x512x64xf32, #tpu.memory_space<vmem>> -> memref<1x512x64xf32, #tpu.memory_space<vmem>>
      %dma_start3A_294 = tpu.memref_squeeze %dma_start3A_293 : memref<1x512x64xf32, #tpu.memory_space<vmem>> -> memref<512x64xf32, #tpu.memory_space<vmem>>
      %dma_start3A_295 = arith.constant 0 : i32
      %dma_start3A_296 = tpu.memref_slice %arg4[%add3A_290, %dma_start3A_295] : memref<819200x128xf32, #tpu.memory_space<hbm>> -> memref<512x64xf32, #tpu.memory_space<hbm>>
      %dma_start3A_297 = tpu.memref_slice %arg8[%rem3A_235] : memref<3x!tpu.dma_semaphore, #tpu.memory_space<semaphore_mem>> -> memref<1x!tpu.dma_semaphore, #tpu.memory_space<semaphore_mem>>
      %dma_start3A_298 = tpu.memref_squeeze %dma_start3A_297 : memref<1x!tpu.dma_semaphore, #tpu.memory_space<semaphore_mem>> -> memref<!tpu.dma_semaphore, #tpu.memory_space<semaphore_mem>>
      %dma_start3A_299 = arith.constant 0 : i32
      %dma_start3A_300 = tpu.memref_slice %arg4[%add3A_290, %dma_start3A_299] : memref<819200x128xf32, #tpu.memory_space<hbm>> -> memref<512x64xf32, #tpu.memory_space<hbm>>
      %dma_start3A_301 = arith.constant 0 : i32
      %dma_start3A_302 = arith.constant 0 : i32
      %dma_start3A_303 = tpu.memref_slice %arg6[%rem3A_235, %dma_start3A_301, %dma_start3A_302] : memref<3x512x64xf32, #tpu.memory_space<vmem>> -> memref<1x512x64xf32, #tpu.memory_space<vmem>>
      %dma_start3A_304 = tpu.memref_squeeze %dma_start3A_303 : memref<1x512x64xf32, #tpu.memory_space<vmem>> -> memref<512x64xf32, #tpu.memory_space<vmem>>
      tpu.enqueue_dma source(%dma_start3A_304 : memref<512x64xf32, #tpu.memory_space<vmem>>) target(%dma_start3A_300 : memref<512x64xf32, #tpu.memory_space<hbm>>) target_semaphore(%dma_start3A_298 : memref<!tpu.dma_semaphore, #tpu.memory_space<semaphore_mem>>)
      %add3A_305 = arith.constant 3 : i32
      %add3A_306 = arith.addi %scan3A_234, %add3A_305 : i32
      %lt3A = arith.constant 50 : i32
      %lt3A_307 = arith.cmpi slt, %add3A_306, %lt3A : i32
      %convert_element_type3A = arith.extui %lt3A_307 : i1 to i32
      %cond3A = arith.constant 0 : i32
      %cond3A_308 = arith.cmpi ne, %convert_element_type3A, %cond3A : i32
      scf.if %cond3A_308 {
        %dma_wait3A_309 = arith.constant 0 : i32
        %dma_wait3A_310 = arith.constant 0 : i32
        %dma_wait3A_311 = tpu.memref_slice %arg6[%rem3A_235, %dma_wait3A_309, %dma_wait3A_310] : memref<3x512x64xf32, #tpu.memory_space<vmem>> -> memref<1x512x64xf32, #tpu.memory_space<vmem>>
        %dma_wait3A_312 = tpu.memref_squeeze %dma_wait3A_311 : memref<1x512x64xf32, #tpu.memory_space<vmem>> -> memref<512x64xf32, #tpu.memory_space<vmem>>
        %dma_wait3A_313 = arith.constant 0 : i32
        %dma_wait3A_314 = tpu.memref_slice %arg4[%mul3A_2, %dma_wait3A_313] : memref<819200x128xf32, #tpu.memory_space<hbm>> -> memref<512x64xf32, #tpu.memory_space<hbm>>
        %dma_wait3A_315 = tpu.memref_slice %arg8[%rem3A_235] : memref<3x!tpu.dma_semaphore, #tpu.memory_space<semaphore_mem>> -> memref<1x!tpu.dma_semaphore, #tpu.memory_space<semaphore_mem>>
        %dma_wait3A_316 = tpu.memref_squeeze %dma_wait3A_315 : memref<1x!tpu.dma_semaphore, #tpu.memory_space<semaphore_mem>> -> memref<!tpu.dma_semaphore, #tpu.memory_space<semaphore_mem>>
        %dma_wait3A_317 = arith.constant 0 : i32
        %dma_wait3A_318 = tpu.memref_slice %arg4[%mul3A_2, %dma_wait3A_317] : memref<819200x128xf32, #tpu.memory_space<hbm>> -> memref<512x64xf32, #tpu.memory_space<hbm>>
        %dma_wait3A_319 = arith.constant 0 : i32
        %dma_wait3A_320 = arith.constant 0 : i32
        %dma_wait3A_321 = tpu.memref_slice %arg6[%rem3A_235, %dma_wait3A_319, %dma_wait3A_320] : memref<3x512x64xf32, #tpu.memory_space<vmem>> -> memref<1x512x64xf32, #tpu.memory_space<vmem>>
        %dma_wait3A_322 = tpu.memref_squeeze %dma_wait3A_321 : memref<1x512x64xf32, #tpu.memory_space<vmem>> -> memref<512x64xf32, #tpu.memory_space<vmem>>
        tpu.wait_dma2 semaphore(%dma_wait3A_316 : memref<!tpu.dma_semaphore, #tpu.memory_space<semaphore_mem>>) src(%dma_wait3A_322 : memref<512x64xf32, #tpu.memory_space<vmem>>) dst(%dma_wait3A_318 : memref<512x64xf32, #tpu.memory_space<hbm>>)
        %add3A_323 = arith.constant 3 : i32
        %add3A_324 = arith.addi %scan3A_234, %add3A_323 : i32
        %mul3A_325 = arith.constant 4 : i32
        %mul3A_326 = arith.muli %add3A_324, %mul3A_325 : i32
        %add3A_327 = arith.constant 0 : i32
        %add3A_328 = arith.addi %mul3A_326, %add3A_327 : i32
        %dma_start3A_329 = arith.constant 0 : i32
        %dma_start3A_330 = arith.constant 0 : i32
        %dma_start3A_331 = tpu.memref_slice %arg6[%rem3A_235, %dma_start3A_329, %dma_start3A_330] : memref<3x512x64xf32, #tpu.memory_space<vmem>> -> memref<1x128x64xf32, #tpu.memory_space<vmem>>
        %dma_start3A_332 = tpu.memref_squeeze %dma_start3A_331 : memref<1x128x64xf32, #tpu.memory_space<vmem>> -> memref<128x64xf32, #tpu.memory_space<vmem>>
        %dma_start3A_333 = arith.constant 0 : i32
        %dma_start3A_334 = tpu.memref_slice %arg5[%add3A_328, %dma_start3A_333] : memref<200x128xi32, #tpu.memory_space<vmem>> -> memref<1x128xi32, #tpu.memory_space<vmem>>
        %dma_start3A_335 = tpu.memref_squeeze %dma_start3A_334 : memref<1x128xi32, #tpu.memory_space<vmem>> -> memref<128xi32, #tpu.memory_space<vmem>>
        %dma_start3A_336 = arith.constant 0 : i32
        %dma_start3A_337 = arith.constant 0 : i32
        %dma_start3A_338 = tpu.memref_slice %arg2[%dma_start3A_336, %dma_start3A_337] : memref<1000000x64xf32, #tpu.memory_space<hbm>> -> memref<1000000x64xf32, #tpu.memory_space<hbm>>
        %dma_start3A_339 = tpu.memref_slice %arg7[%rem3A_235] : memref<3x!tpu.dma_semaphore, #tpu.memory_space<semaphore_mem>> -> memref<1x!tpu.dma_semaphore, #tpu.memory_space<semaphore_mem>>
        %dma_start3A_340 = tpu.memref_squeeze %dma_start3A_339 : memref<1x!tpu.dma_semaphore, #tpu.memory_space<semaphore_mem>> -> memref<!tpu.dma_semaphore, #tpu.memory_space<semaphore_mem>>
        tpu.enqueue_indirect_dma source(%dma_start3A_338 : memref<1000000x64xf32, #tpu.memory_space<hbm>>) target(%dma_start3A_332 : memref<128x64xf32, #tpu.memory_space<vmem>>) offsets(%dma_start3A_335 : memref<128xi32, #tpu.memory_space<vmem>>) semaphore(%dma_start3A_340 : memref<!tpu.dma_semaphore, #tpu.memory_space<semaphore_mem>>)
        %mul3A_341 = arith.constant 4 : i32
        %mul3A_342 = arith.muli %add3A_324, %mul3A_341 : i32
        %add3A_343 = arith.constant 1 : i32
        %add3A_344 = arith.addi %mul3A_342, %add3A_343 : i32
        %dma_start3A_345 = arith.constant 128 : i32
        %dma_start3A_346 = arith.constant 0 : i32
        %dma_start3A_347 = tpu.memref_slice %arg6[%rem3A_235, %dma_start3A_345, %dma_start3A_346] : memref<3x512x64xf32, #tpu.memory_space<vmem>> -> memref<1x128x64xf32, #tpu.memory_space<vmem>>
        %dma_start3A_348 = tpu.memref_squeeze %dma_start3A_347 : memref<1x128x64xf32, #tpu.memory_space<vmem>> -> memref<128x64xf32, #tpu.memory_space<vmem>>
        %dma_start3A_349 = arith.constant 0 : i32
        %dma_start3A_350 = tpu.memref_slice %arg5[%add3A_344, %dma_start3A_349] : memref<200x128xi32, #tpu.memory_space<vmem>> -> memref<1x128xi32, #tpu.memory_space<vmem>>
        %dma_start3A_351 = tpu.memref_squeeze %dma_start3A_350 : memref<1x128xi32, #tpu.memory_space<vmem>> -> memref<128xi32, #tpu.memory_space<vmem>>
        %dma_start3A_352 = arith.constant 0 : i32
        %dma_start3A_353 = arith.constant 0 : i32
        %dma_start3A_354 = tpu.memref_slice %arg2[%dma_start3A_352, %dma_start3A_353] : memref<1000000x64xf32, #tpu.memory_space<hbm>> -> memref<1000000x64xf32, #tpu.memory_space<hbm>>
        %dma_start3A_355 = tpu.memref_slice %arg7[%rem3A_235] : memref<3x!tpu.dma_semaphore, #tpu.memory_space<semaphore_mem>> -> memref<1x!tpu.dma_semaphore, #tpu.memory_space<semaphore_mem>>
        %dma_start3A_356 = tpu.memref_squeeze %dma_start3A_355 : memref<1x!tpu.dma_semaphore, #tpu.memory_space<semaphore_mem>> -> memref<!tpu.dma_semaphore, #tpu.memory_space<semaphore_mem>>
        tpu.enqueue_indirect_dma source(%dma_start3A_354 : memref<1000000x64xf32, #tpu.memory_space<hbm>>) target(%dma_start3A_348 : memref<128x64xf32, #tpu.memory_space<vmem>>) offsets(%dma_start3A_351 : memref<128xi32, #tpu.memory_space<vmem>>) semaphore(%dma_start3A_356 : memref<!tpu.dma_semaphore, #tpu.memory_space<semaphore_mem>>)
        %mul3A_357 = arith.constant 4 : i32
        %mul3A_358 = arith.muli %add3A_324, %mul3A_357 : i32
        %add3A_359 = arith.constant 2 : i32
        %add3A_360 = arith.addi %mul3A_358, %add3A_359 : i32
        %dma_start3A_361 = arith.constant 256 : i32
        %dma_start3A_362 = arith.constant 0 : i32
        %dma_start3A_363 = tpu.memref_slice %arg6[%rem3A_235, %dma_start3A_361, %dma_start3A_362] : memref<3x512x64xf32, #tpu.memory_space<vmem>> -> memref<1x128x64xf32, #tpu.memory_space<vmem>>
        %dma_start3A_364 = tpu.memref_squeeze %dma_start3A_363 : memref<1x128x64xf32, #tpu.memory_space<vmem>> -> memref<128x64xf32, #tpu.memory_space<vmem>>
        %dma_start3A_365 = arith.constant 0 : i32
        %dma_start3A_366 = tpu.memref_slice %arg5[%add3A_360, %dma_start3A_365] : memref<200x128xi32, #tpu.memory_space<vmem>> -> memref<1x128xi32, #tpu.memory_space<vmem>>
        %dma_start3A_367 = tpu.memref_squeeze %dma_start3A_366 : memref<1x128xi32, #tpu.memory_space<vmem>> -> memref<128xi32, #tpu.memory_space<vmem>>
        %dma_start3A_368 = arith.constant 0 : i32
        %dma_start3A_369 = arith.constant 0 : i32
        %dma_start3A_370 = tpu.memref_slice %arg2[%dma_start3A_368, %dma_start3A_369] : memref<1000000x64xf32, #tpu.memory_space<hbm>> -> memref<1000000x64xf32, #tpu.memory_space<hbm>>
        %dma_start3A_371 = tpu.memref_slice %arg7[%rem3A_235] : memref<3x!tpu.dma_semaphore, #tpu.memory_space<semaphore_mem>> -> memref<1x!tpu.dma_semaphore, #tpu.memory_space<semaphore_mem>>
        %dma_start3A_372 = tpu.memref_squeeze %dma_start3A_371 : memref<1x!tpu.dma_semaphore, #tpu.memory_space<semaphore_mem>> -> memref<!tpu.dma_semaphore, #tpu.memory_space<semaphore_mem>>
        tpu.enqueue_indirect_dma source(%dma_start3A_370 : memref<1000000x64xf32, #tpu.memory_space<hbm>>) target(%dma_start3A_364 : memref<128x64xf32, #tpu.memory_space<vmem>>) offsets(%dma_start3A_367 : memref<128xi32, #tpu.memory_space<vmem>>) semaphore(%dma_start3A_372 : memref<!tpu.dma_semaphore, #tpu.memory_space<semaphore_mem>>)
        %mul3A_373 = arith.constant 4 : i32
        %mul3A_374 = arith.muli %add3A_324, %mul3A_373 : i32
        %add3A_375 = arith.constant 3 : i32
        %add3A_376 = arith.addi %mul3A_374, %add3A_375 : i32
        %dma_start3A_377 = arith.constant 384 : i32
        %dma_start3A_378 = arith.constant 0 : i32
        %dma_start3A_379 = tpu.memref_slice %arg6[%rem3A_235, %dma_start3A_377, %dma_start3A_378] : memref<3x512x64xf32, #tpu.memory_space<vmem>> -> memref<1x128x64xf32, #tpu.memory_space<vmem>>
        %dma_start3A_380 = tpu.memref_squeeze %dma_start3A_379 : memref<1x128x64xf32, #tpu.memory_space<vmem>> -> memref<128x64xf32, #tpu.memory_space<vmem>>
        %dma_start3A_381 = arith.constant 0 : i32
        %dma_start3A_382 = tpu.memref_slice %arg5[%add3A_376, %dma_start3A_381] : memref<200x128xi32, #tpu.memory_space<vmem>> -> memref<1x128xi32, #tpu.memory_space<vmem>>
        %dma_start3A_383 = tpu.memref_squeeze %dma_start3A_382 : memref<1x128xi32, #tpu.memory_space<vmem>> -> memref<128xi32, #tpu.memory_space<vmem>>
        %dma_start3A_384 = arith.constant 0 : i32
        %dma_start3A_385 = arith.constant 0 : i32
        %dma_start3A_386 = tpu.memref_slice %arg2[%dma_start3A_384, %dma_start3A_385] : memref<1000000x64xf32, #tpu.memory_space<hbm>> -> memref<1000000x64xf32, #tpu.memory_space<hbm>>
        %dma_start3A_387 = tpu.memref_slice %arg7[%rem3A_235] : memref<3x!tpu.dma_semaphore, #tpu.memory_space<semaphore_mem>> -> memref<1x!tpu.dma_semaphore, #tpu.memory_space<semaphore_mem>>
        %dma_start3A_388 = tpu.memref_squeeze %dma_start3A_387 : memref<1x!tpu.dma_semaphore, #tpu.memory_space<semaphore_mem>> -> memref<!tpu.dma_semaphore, #tpu.memory_space<semaphore_mem>>
        tpu.enqueue_indirect_dma source(%dma_start3A_386 : memref<1000000x64xf32, #tpu.memory_space<hbm>>) target(%dma_start3A_380 : memref<128x64xf32, #tpu.memory_space<vmem>>) offsets(%dma_start3A_383 : memref<128xi32, #tpu.memory_space<vmem>>) semaphore(%dma_start3A_388 : memref<!tpu.dma_semaphore, #tpu.memory_space<semaphore_mem>>)
      } else {
      }
    }
    %scan3A_186 = arith.constant 50 : i32
    %dma_wait3A = arith.constant 0 : i32
    %dma_wait3A_187 = arith.constant 0 : i32
    %dma_wait3A_188 = arith.constant 0 : i32
    %dma_wait3A_189 = arith.constant 0 : i32
    %dma_wait3A_190 = tpu.memref_slice %arg6[%dma_wait3A, %dma_wait3A_188, %dma_wait3A_189] : memref<3x512x64xf32, #tpu.memory_space<vmem>> -> memref<1x512x64xf32, #tpu.memory_space<vmem>>
    %dma_wait3A_191 = tpu.memref_squeeze %dma_wait3A_190 : memref<1x512x64xf32, #tpu.memory_space<vmem>> -> memref<512x64xf32, #tpu.memory_space<vmem>>
    %dma_wait3A_192 = arith.constant 0 : i32
    %dma_wait3A_193 = tpu.memref_slice %arg4[%mul3A_2, %dma_wait3A_192] : memref<819200x128xf32, #tpu.memory_space<hbm>> -> memref<512x64xf32, #tpu.memory_space<hbm>>
    %dma_wait3A_194 = tpu.memref_slice %arg8[%dma_wait3A_187] : memref<3x!tpu.dma_semaphore, #tpu.memory_space<semaphore_mem>> -> memref<1x!tpu.dma_semaphore, #tpu.memory_space<semaphore_mem>>
    %dma_wait3A_195 = tpu.memref_squeeze %dma_wait3A_194 : memref<1x!tpu.dma_semaphore, #tpu.memory_space<semaphore_mem>> -> memref<!tpu.dma_semaphore, #tpu.memory_space<semaphore_mem>>
    %dma_wait3A_196 = arith.constant 0 : i32
    %dma_wait3A_197 = tpu.memref_slice %arg4[%mul3A_2, %dma_wait3A_196] : memref<819200x128xf32, #tpu.memory_space<hbm>> -> memref<512x64xf32, #tpu.memory_space<hbm>>
    %dma_wait3A_198 = arith.constant 0 : i32
    %dma_wait3A_199 = arith.constant 0 : i32
    %dma_wait3A_200 = tpu.memref_slice %arg6[%dma_wait3A, %dma_wait3A_198, %dma_wait3A_199] : memref<3x512x64xf32, #tpu.memory_space<vmem>> -> memref<1x512x64xf32, #tpu.memory_space<vmem>>
    %dma_wait3A_201 = tpu.memref_squeeze %dma_wait3A_200 : memref<1x512x64xf32, #tpu.memory_space<vmem>> -> memref<512x64xf32, #tpu.memory_space<vmem>>
    tpu.wait_dma2 semaphore(%dma_wait3A_195 : memref<!tpu.dma_semaphore, #tpu.memory_space<semaphore_mem>>) src(%dma_wait3A_201 : memref<512x64xf32, #tpu.memory_space<vmem>>) dst(%dma_wait3A_197 : memref<512x64xf32, #tpu.memory_space<hbm>>)
    %dma_wait3A_202 = arith.constant 1 : i32
    %dma_wait3A_203 = arith.constant 1 : i32
    %dma_wait3A_204 = arith.constant 0 : i32
    %dma_wait3A_205 = arith.constant 0 : i32
    %dma_wait3A_206 = tpu.memref_slice %arg6[%dma_wait3A_202, %dma_wait3A_204, %dma_wait3A_205] : memref<3x512x64xf32, #tpu.memory_space<vmem>> -> memref<1x512x64xf32, #tpu.memory_space<vmem>>
    %dma_wait3A_207 = tpu.memref_squeeze %dma_wait3A_206 : memref<1x512x64xf32, #tpu.memory_space<vmem>> -> memref<512x64xf32, #tpu.memory_space<vmem>>
    %dma_wait3A_208 = arith.constant 0 : i32
    %dma_wait3A_209 = tpu.memref_slice %arg4[%mul3A_2, %dma_wait3A_208] : memref<819200x128xf32, #tpu.memory_space<hbm>> -> memref<512x64xf32, #tpu.memory_space<hbm>>
    %dma_wait3A_210 = tpu.memref_slice %arg8[%dma_wait3A_203] : memref<3x!tpu.dma_semaphore, #tpu.memory_space<semaphore_mem>> -> memref<1x!tpu.dma_semaphore, #tpu.memory_space<semaphore_mem>>
    %dma_wait3A_211 = tpu.memref_squeeze %dma_wait3A_210 : memref<1x!tpu.dma_semaphore, #tpu.memory_space<semaphore_mem>> -> memref<!tpu.dma_semaphore, #tpu.memory_space<semaphore_mem>>
    %dma_wait3A_212 = arith.constant 0 : i32
    %dma_wait3A_213 = tpu.memref_slice %arg4[%mul3A_2, %dma_wait3A_212] : memref<819200x128xf32, #tpu.memory_space<hbm>> -> memref<512x64xf32, #tpu.memory_space<hbm>>
    %dma_wait3A_214 = arith.constant 0 : i32
    %dma_wait3A_215 = arith.constant 0 : i32
    %dma_wait3A_216 = tpu.memref_slice %arg6[%dma_wait3A_202, %dma_wait3A_214, %dma_wait3A_215] : memref<3x512x64xf32, #tpu.memory_space<vmem>> -> memref<1x512x64xf32, #tpu.memory_space<vmem>>
    %dma_wait3A_217 = tpu.memref_squeeze %dma_wait3A_216 : memref<1x512x64xf32, #tpu.memory_space<vmem>> -> memref<512x64xf32, #tpu.memory_space<vmem>>
    tpu.wait_dma2 semaphore(%dma_wait3A_211 : memref<!tpu.dma_semaphore, #tpu.memory_space<semaphore_mem>>) src(%dma_wait3A_217 : memref<512x64xf32, #tpu.memory_space<vmem>>) dst(%dma_wait3A_213 : memref<512x64xf32, #tpu.memory_space<hbm>>)
    %dma_wait3A_218 = arith.constant 2 : i32
    %dma_wait3A_219 = arith.constant 2 : i32
    %dma_wait3A_220 = arith.constant 0 : i32
    %dma_wait3A_221 = arith.constant 0 : i32
    %dma_wait3A_222 = tpu.memref_slice %arg6[%dma_wait3A_218, %dma_wait3A_220, %dma_wait3A_221] : memref<3x512x64xf32, #tpu.memory_space<vmem>> -> memref<1x512x64xf32, #tpu.memory_space<vmem>>
    %dma_wait3A_223 = tpu.memref_squeeze %dma_wait3A_222 : memref<1x512x64xf32, #tpu.memory_space<vmem>> -> memref<512x64xf32, #tpu.memory_space<vmem>>
    %dma_wait3A_224 = arith.constant 0 : i32
    %dma_wait3A_225 = tpu.memref_slice %arg4[%mul3A_2, %dma_wait3A_224] : memref<819200x128xf32, #tpu.memory_space<hbm>> -> memref<512x64xf32, #tpu.memory_space<hbm>>
    %dma_wait3A_226 = tpu.memref_slice %arg8[%dma_wait3A_219] : memref<3x!tpu.dma_semaphore, #tpu.memory_space<semaphore_mem>> -> memref<1x!tpu.dma_semaphore, #tpu.memory_space<semaphore_mem>>
    %dma_wait3A_227 = tpu.memref_squeeze %dma_wait3A_226 : memref<1x!tpu.dma_semaphore, #tpu.memory_space<semaphore_mem>> -> memref<!tpu.dma_semaphore, #tpu.memory_space<semaphore_mem>>
    %dma_wait3A_228 = arith.constant 0 : i32
    %dma_wait3A_229 = tpu.memref_slice %arg4[%mul3A_2, %dma_wait3A_228] : memref<819200x128xf32, #tpu.memory_space<hbm>> -> memref<512x64xf32, #tpu.memory_space<hbm>>
    %dma_wait3A_230 = arith.constant 0 : i32
    %dma_wait3A_231 = arith.constant 0 : i32
    %dma_wait3A_232 = tpu.memref_slice %arg6[%dma_wait3A_218, %dma_wait3A_230, %dma_wait3A_231] : memref<3x512x64xf32, #tpu.memory_space<vmem>> -> memref<1x512x64xf32, #tpu.memory_space<vmem>>
    %dma_wait3A_233 = tpu.memref_squeeze %dma_wait3A_232 : memref<1x512x64xf32, #tpu.memory_space<vmem>> -> memref<512x64xf32, #tpu.memory_space<vmem>>
    tpu.wait_dma2 semaphore(%dma_wait3A_227 : memref<!tpu.dma_semaphore, #tpu.memory_space<semaphore_mem>>) src(%dma_wait3A_233 : memref<512x64xf32, #tpu.memory_space<vmem>>) dst(%dma_wait3A_229 : memref<512x64xf32, #tpu.memory_space<hbm>>)
    return
  }
}

</mosaic_0001>

<sc_bundles>
// kernel: kernel.3.cloned.1.call-start
scs
__scs_entry_jumppad:
0x0: {  	(pc) =	sbr.rel $0x88, $3  }
0x1: {  	(tag) =	ssettag $0x0;
	lr =	simm.s32 $0x1  }
0x2: {  	[smem:$0x3F9F] =	sst lr;
	_ =	strace $0xD0000000  }
0x3: {  	_ = 	snop  }
0x4: {  	_ = 	snop  }
0x5: {  	_ = 	snop  }
0x6: {  	_ = 	snop  }
0x7: {  	_ = 	snop  }
__scs_overlays_trampoline_lowered:
0x8: {  	[smem:$0x3FAE] =	sst s0  }
0x9: {  	[smem:$0x3FAF] =	sst s1  }
0xa: {  	[smem:$0x3FB0] =	sst s2  }
0xb: {  	[smem:$0x3FB1] =	sst s3  }
0xc: {  	[smem:$0x3FB2] =	sst s4  }
0xd: {  	[smem:$0x3FB3] =	sst s5  }
0xe: {  	[smem:$0x3FB4] =	sst s6  }
0xf: {  	[smem:$0x3FB5] =	sst s7  }
0x10: {  	[smem:$0x3FB6] =	sst s8  }
0x11: {  	[smem:$0x3FB7] =	sst s9;
	s0 =	simm.s32 @!p0 $0x0  }
0x12: {  	s1 =	sld [smem:$0x3F9D];
	s0 =	simm.s32 @p0 $0x1  }
0x13: {  	[smem:$0x3FB8] =	sst s0;
	s0 =	simm.s32 @!p1 $0x0  }
0x14: {  	s2 =	sld [smem:$0x3F9C];
	s0 =	simm.s32 @p1 $0x1  }
0x15: {  	[smem:$0x3FB9] =	sst s0;
	s0 =	simm.s32 @!p2 $0x0  }
0x16: {  	s3 =	sld [smem:$0x3FDB];
	s0 =	simm.s32 @p2 $0x1  }
0x17: {  	s4 =	simm.s32 $0x1BF5;
	[smem:$0x3FBB] =	sst s0  }
0x18: {  	s0 =	sld [smem:$0x3F9E];
	_ =	swait.ge [sflag:s4], $0x0  }
0x19: {  	s7 =	sld [smem:$0x3F9F]  }
0x1a: {  	s8 =	sadd.s32 $0xFFFFE003, lr  }
0x1b: {  	s9 =	sadd.s32 $0xFFFFFEF7, lr;
	s5 =	simm.s32 $0xFFFFFFFF;
	p2 =	slt.u32 s8, $0xFFFFF086  }
0x1c: {  	p1 =	slt.u32 s9, $0xF7A;
	s5 =	simm.s32 @!p2 $0x0  }
0x1d: {  	s5 =	simm.s32 @p1 $0x1;
	p0 =	seq.s32 s7, s2  }
0x1e: {  	s7 =	smul.u32 @!p0 $0xF7A, s2;
	p2 =	seq.s32 @!p0 s5, $0x0  }
0x1f: {  	s9 =	smul.u32 $0xF7A, s1;
	s8 =	simm.s32 @!p0 $0x1BF5;
	p2 =	por !p2, p0  }
0x20: {  	[sflag:s8] =	ssyncset.s32 @!p0 $0xFFFFF086;
	s6 =	sadd.s32 @!p0 s3, s7;
	s7 =	simm.s32 @!p0 $0x108  }
0x21: {  	s3 =	sadd.s32 s3, s9;
	s6 =	sadd.s32 @!p0 $0x88, s6;
	s7 =	simm.s32 @p2 $0x1082  }
0x22: {  	[simem:s7], [sflag:s8] =	dma.local @!p0 [hbm:s6], $0xF7A  }
0x23: {  	s9 =	sor.u32 $0xD0000000, s2;
	s6 =	simm.s32 $0x108;
	_ =	swait.ge @!p0 [sflag:s8], $0x0  }
0x24: {  	s3 =	sadd.s32 $0x88, s3;
	s6 =	simm.s32 @!p1 $0x1082;
	[sflag:s4] =	ssyncset.s32 $0xFFFFF086  }
0x25: {  	[simem:s6], [sflag:s4] =	dma.local [hbm:s3], $0xF7A  }
0x26: {  	[smem:$0x3F9F] =	sst s1;
	(tag) =	ssettag s2;
	_ =	strace s9  }
0x27: {  	s1 =	sld [smem:$0x3FAF]  }
0x28: {  	s2 =	sld [smem:$0x3FB0]  }
0x29: {  	s4 =	sld [smem:$0x3FB2]  }
0x2a: {  	p0 =	seq.s32 s5, $0x0;
	s5 =	sld [smem:$0x3FB3]  }
0x2b: {  	s6 =	sld [smem:$0x3FB4]  }
0x2c: {  	s7 =	sld [smem:$0x3FB5]  }
0x2d: {  	s3 =	simm.s32 $0x108;
	s8 =	sld [smem:$0x3FB6]  }
0x2e: {  	s3 =	simm.s32 @!p0 $0x1082;
	s9 =	sld [smem:$0x3FB7]  }
0x2f: {  	lr =	sadd.s32 s0, s3;
	s0 =	sld [smem:$0x3FAE]  }
0x30: {  	s3 =	sld [smem:$0x3FB1]  }
0x31: {  	[smem:$0x3FBA] =	sst s10  }
0x32: {  	s10 =	sld [smem:$0x3FB8];
	_ =	sdelay $0x3  }
0x33: {  	p0 =	seq.s32 s10, $0x1;
	s10 =	sld [smem:$0x3FBA];
	_ =	sdelay $0x3  }
0x34: {  	[smem:$0x3FBA] =	sst s10  }
0x35: {  	s10 =	sld [smem:$0x3FB9];
	_ =	sdelay $0x3  }
0x36: {  	p1 =	seq.s32 s10, $0x1;
	s10 =	sld [smem:$0x3FBA];
	_ =	sdelay $0x3  }
0x37: {  	[smem:$0x3FBA] =	sst s10  }
0x38: {  	s10 =	sld [smem:$0x3FBB]  }
0x39: {  	_ = 	snop;
	(pc) =	sbr.ind lr, $3  }
0x3a: {  	_ = 	snop  }
0x3b: {  	_ = 	snop  }
0x3c: {  	p2 =	seq.s32 s10, $0x1;
	s10 =	sld [smem:$0x3FBA]  }
0x3d: {  	_ =	shalt  }
0x3e: {  	_ =	shalt  }
0x3f: {  	_ =	shalt  }
0x40: {  	_ =	shalt  }
0x41: {  	_ =	shalt  }
0x42: {  	_ =	shalt  }
0x43: {  	_ =	shalt  }
0x44: {  	_ =	shalt  }
0x45: {  	_ =	shalt  }
0x46: {  	_ =	shalt  }
0x47: {  	_ =	shalt  }
0x48: {  	_ =	shalt  }
0x49: {  	_ =	shalt  }
0x4a: {  	_ =	shalt  }
0x4b: {  	_ =	shalt  }
0x4c: {  	_ =	shalt  }
0x4d: {  	_ =	shalt  }
0x4e: {  	_ =	shalt  }
0x4f: {  	_ =	shalt  }
0x50: {  	_ =	shalt  }
0x51: {  	_ =	shalt  }
0x52: {  	_ =	shalt  }
0x53: {  	_ =	shalt  }
0x54: {  	_ =	shalt  }
0x55: {  	_ =	shalt  }
0x56: {  	_ =	shalt  }
0x57: {  	_ =	shalt  }
0x58: {  	_ =	shalt  }
0x59: {  	_ =	shalt  }
0x5a: {  	_ =	shalt  }
0x5b: {  	_ =	shalt  }
0x5c: {  	_ =	shalt  }
0x5d: {  	_ =	shalt  }
0x5e: {  	_ =	shalt  }
0x5f: {  	_ =	shalt  }
0x60: {  	_ =	shalt  }
0x61: {  	_ =	shalt  }
0x62: {  	_ =	shalt  }
0x63: {  	_ =	shalt  }
0x64: {  	_ =	shalt  }
0x65: {  	_ =	shalt  }
0x66: {  	_ =	shalt  }
0x67: {  	_ =	shalt  }
0x68: {  	_ =	shalt  }
0x69: {  	_ =	shalt  }
0x6a: {  	_ =	shalt  }
0x6b: {  	_ =	shalt  }
0x6c: {  	_ =	shalt  }
0x6d: {  	_ =	shalt  }
0x6e: {  	_ =	shalt  }
0x6f: {  	_ =	shalt  }
0x70: {  	_ =	shalt  }
0x71: {  	_ =	shalt  }
0x72: {  	_ =	shalt  }
0x73: {  	_ =	shalt  }
0x74: {  	_ =	shalt  }
0x75: {  	_ =	shalt  }
0x76: {  	_ =	shalt  }
0x77: {  	_ =	shalt  }
0x78: {  	_ =	shalt  }
0x79: {  	_ =	shalt  }
0x7a: {  	_ =	shalt  }
0x7b: {  	_ =	shalt  }
0x7c: {  	_ =	shalt  }
0x7d: {  	_ =	shalt  }
0x7e: {  	_ =	shalt  }
0x7f: {  	_ =	shalt  }
0x80: {  	_ =	shalt  }
0x81: {  	_ =	shalt  }
0x82: {  	_ =	shalt  }
0x83: {  	_ =	shalt  }
0x84: {  	_ =	shalt  }
0x85: {  	_ =	shalt  }
0x86: {  	_ =	shalt  }
0x87: {  	_ =	shalt  }
.Lfunc_end0:
.L_simem_size_0:
called_computation.1_lowered:
.L_overlay_start_0:
0x88: {  	s2 =	sld [smem:$0x3FD9]  }
0x89: {  	s3 =	sld [smem:$0x3FFE];
	_ =	sdelay $0x1  }
0x8a: {  	s1 =	srdreg.scid  }
0x8b: {  	s0 =	sand.u32 $0x1, s1  }
0x8c: {  	s17 =	sshll.u32 s0, $0xA;
	s2 =	sadd.s32 s3, s2  }
0x8d: {  	s2 =	sadd.s32 s2, s17  }
0x8e: {  	[smem:$0x3FC6] =	sst s2  }
0x8f: {  	_ = 	snop  }
0x90: {  	s2 =	sld [smem:$0x3FD0];
	(tm) =	ssettm $0x1  }
0x91: {  	s18 =	sld [smem:$0x3FFB];
	_ =	sdelay $0x3  }
0x92: {  	_ =	strace s18  }
0x93: {  	s3 =	sld [smem:$0x3FFC];
	_ =	sdelay $0x3  }
0x94: {  	_ =	strace s3  }
0x95: {  	s3 =	sld [smem:$0x3FFD];
	_ =	sdelay $0x3  }
0x96: {  	_ =	strace s3  }
0x97: {  	_ =	strace $0x8FFFFFFF  }
0x98: {  	s19 =	sld [smem:$0x3FDB];
	_ =	sdelay $0x1  }
0x99: {  	s4 =	simm.s32 $_scs_section_size  }
0x9a: {  	s5 =	simm.s32 $_size__tile_overlayer_lowered;
	s6 =	simm.s32 $_tile_overlayer_lowered  }
0x9b: {  	s22 =	simm.s32 $0x1BFF;
	s21 =	sshll.u32 s6, $0x1;
	s3 =	sadd.s32 s4, s19  }
0x9c: {  	s7 =	simm.s32 $0x0;
	s20 =	sshll.u32 s5, $0x1;
	s5 =	sadd.s32 s21, s3  }
0x9d: {  	[timem:s7], [sflag:s22] =	dma.local [hbm:s5], s20  }
0x9e: {  	_ =	swait.ge [sflag:s22], s20  }
0x9f: {  	s4 =	ssub.s32 $0x0, s20;
	[sflag:s22] =	ssyncset.done $0x0  }
0xa0: {  	[sflag:s22] =	ssyncadd.s32 s4;
	_ =	sdelay $0x1  }
0xa1: {  	s23 =	simm.s32 $0x1B8B  }
0xa2: {  	_ =	swait.ge [sflag:s23], $0x1  }
0xa3: {  	[sflag:s23] =	ssyncset.done $0x0  }
0xa4: {  	s25 =	simm.s32 $0x1B8E;
	s24 =	sld [smem:$0x3FFE];
	[sflag:s23] =	ssyncadd.s32 $0xFFFFFFFF  }
0xa5: {  	s26 =	simm.s32 $execute0_lowered;
	[smem:$0x3FD2] =	sst s25  }
0xa6: {  	s5 =	sshll.u32 s26, $0x1;
	_ =	strace $0x80000046;
	[dreg:$0x1] =	wrdreg $0xFFFFFFFF  }
0xa7: {  	s28 =	simm.s32 $_size_execute0_lowered;
	s3 =	sadd.s32 s3, s5;
	[dreg:$0x0] =	wrdreg $0x0  }
0xa8: {  	s5 =	sshll.u32 s28, $0x1;
	[dreg:$0x2] =	wrdreg s3  }
0xa9: {  	[dreg:$0x3] =	wrdreg s5  }
0xaa: {  	[dreg:$0x4] =	wrdreg $0xC0  }
0xab: {  	_ =	task [dreg:s7], $0x5FFFF  }
0xac: {  	[dreg:$0x1] =	wrdreg $0xFFFFFFFF  }
0xad: {  	[dreg:$0x0] =	wrdreg $0x60  }
0xae: {  	[dreg:$0x2] =	wrdreg s24  }
0xaf: {  	[dreg:$0x3] =	wrdreg s2  }
0xb0: {  	[dreg:$0x4] =	wrdreg $0x9  }
0xb1: {  	_ =	task.clear_ibuf [dreg:s7], $0x5FFFF;
	_ =	strace $0x90000046  }
0xb2: {  	s29 =	simm.s32 $0x9;
	_ =	strace $0x80000048  }
0xb3: {  	_ =	swait.ge [sflag:s29], $0x1  }
0xb4: {  	[sflag:s29] =	ssyncadd.s32 $0xFFFFFFFF  }
0xb5: {  	_ =	strace $0x90000048  }
0xb6: {  	_ =	sfence  }
0xb7: {  	s30 =	sld [smem:$0x0];
	_ =	sdelay $0x2  }
0xb8: {  	s31 =	sshll.u32 s1, $0xD;
	s1 =	sshrl.u32 s1, $0x2  }
0xb9: {  	s3 =	sand.u32 $0x4000, s31;
	s1 =	sadd.s32 s1, s30  }
0xba: {  	s0 =	sor.u32 s3, s0;
	s1 =	sshll.u32 s1, $0x11  }
0xbb: {  	s0 =	sor.u32 s1, s0  }
0xbc: {  	s0 =	sadd.s32 $0x8F2B, s0  }
0xbd: {  	[sflag:s0] =	ssyncadd.remote.s32 $0x1  }
0xbe: {  	_ =	sfence.sel $0xFFFF  }
0xbf: {  	[dreg:$0x0] =	wrdreg $0xFFFFFFFF;
	(pc) =	sbr.abs _section_cstart, $3  }
0xc0: {  	[dreg:$0x1] =	wrdreg $0xFFFFFFFF  }
0xc1: {  	_ =	task.clear_ibuf [dreg:s7], $0x2FFFF;
	_ =	strace $0x9FFFFFFF  }
0xc2: {  	(tm) =	ssettm $0x7FFFFFFF  }
0xc3: {  	_ =	shalt  }
tec
execute0_lowered:
.L_overlay_start_1:
0x0: {  	(tag) =	ssettag $0x1  }
0x1: {  	s0 =	rddreg [dreg:$0x0]  }
0x2: {  	s1 =	rddreg [dreg:$0x1]  }
0x3: {  	s3 =	srdreg.scid;
	s6 =	stileid.u32;
	s2 =	simm.s32 $0x0  }
0x4: {  	s8 =	simm.s32 $0x80;
	s28 =	simm.s32 $0x500;
	s29 =	simm.s32 $0x1A400  }
0x5: {  	s30 =	simm.s32 $0x580;
	s31 =	simm.s32 $0x1C400;
	s9 =	simm.s32 $0x5  }
0x6: {  	s10 =	simm.s32 $0x6;
	s11 =	simm.s32 $0x0;
	s3 =	sand.u32 $0x1, s3  }
0x7: {  	s4 =	smul.u32 $0x640000, s6;
	[smem:$0x7FF] =	sst s2;
	s6 =	sshll.u32 s6, $0x1  }
0x8: {  	s5 =	smul.u32 $0x320000, s3;
	s7 =	ssub.s32 $0x2, s3;
	s3 =	sor.u32 s3, s6  }
0x9: {  	_ =	strace $0x80000047;
	s26 =	sshrl.u32 s7, $0x1;
	s6 =	smul.u32 $0xC80, s3  }
0xa: {  	s3 =	sadd.s32 $0xF42E00, s0;
	s4 =	sadd.s32 s5, s4;
	s5 =	ssub.s32 s7, s26  }
0xb: {  	s7 =	simm.s32 $0x7;
	s26 =	simm.s32 $0x18400;
	s4 =	sshrl.u32 s4, $0x3  }
0xc: {  	s5 =	smax.u32 s5, $0x1;
	s0 =	sadd.s32 s4, s0;
	s4 =	sadd.s32 s1, s6  }
0xd: {  	s1 =	simm.s32 $0x4;
	s6 =	sadd.s32 $0xA00, s0;
	s0 =	simm.s32 $0x40  }
.LBB2_1:
0xe: {  	[tilespmem:s2], [sflag:$0x7] =	stream.linear.gather [hbm4b:s4+s2], $0x6400, $0x38;
	[tilespmem:$0x1E400] =	vst v63  }
0xf: {  	_ =	swait.ge [sflag:s7], $0x6400  }
0x10: {  	[sflag:s7] =	ssyncset.done $0x0  }
0x11: {  	s12 =	simm.s32 $0x6400;
	[sflag:s7] =	ssyncadd.s32 $0xFFFF9C00  }
0x12: {  	[tilespmem:s12], [sflag:$0x1] =	stream.indirect.gather [hbm4b:s3+s8], $0x40, s2, s8, $0xb8;
	[tilespmem:$0x1E400] =	vst v63  }
0x13: {  	s22 =	simm.s32 $0x8400  }
0x14: {  	[tilespmem:s22], [sflag:$0x1] =	stream.indirect.gather [hbm4b:s3+s8], $0x40, s8, s8, $0xb8;
	[tilespmem:$0x1E400] =	vst v63  }
0x15: {  	s23 =	simm.s32 $0x100;
	s13 =	simm.s32 $0xA400  }
0x16: {  	[tilespmem:s13], [sflag:$0x1] =	stream.indirect.gather [hbm4b:s3+s8], $0x40, s23, s8, $0xb8;
	[tilespmem:$0x1E400] =	vst v63  }
0x17: {  	s24 =	simm.s32 $0x180;
	s25 =	simm.s32 $0xC400  }
0x18: {  	[tilespmem:s25], [sflag:$0x1] =	stream.indirect.gather [hbm4b:s3+s8], $0x40, s24, s8, $0xb8;
	[tilespmem:$0x1E400] =	vst v63  }
0x19: {  	s14 =	simm.s32 $0xE400;
	s13 =	simm.s32 $0x200  }
0x1a: {  	[tilespmem:s14], [sflag:$0x2] =	stream.indirect.gather [hbm4b:s3+s8], $0x40, s13, s8, $0xb8;
	[tilespmem:$0x1E400] =	vst v63  }
0x1b: {  	s15 =	simm.s32 $0x280;
	s16 =	simm.s32 $0x10400;
	s24 =	smul.u32 $0xAB, s2  }
0x1c: {  	[tilespmem:s16], [sflag:$0x2] =	stream.indirect.gather [hbm4b:s3+s8], $0x40, s15, s8, $0xb8;
	[tilespmem:$0x1E400] =	vst v63  }
0x1d: {  	s17 =	simm.s32 $0x300;
	s18 =	simm.s32 $0x12400;
	s12 =	sshrl.u32 s24, $0x9  }
0x1e: {  	[tilespmem:s18], [sflag:$0x2] =	stream.indirect.gather [hbm4b:s3+s8], $0x40, s17, s8, $0xb8;
	[tilespmem:$0x1E400] =	vst v63  }
0x1f: {  	s19 =	simm.s32 $0x380;
	s20 =	simm.s32 $0x14400;
	s12 =	sand.u32 $0x7F, s12  }
0x20: {  	[tilespmem:s20], [sflag:$0x2] =	stream.indirect.gather [hbm4b:s3+s8], $0x40, s19, s8, $0xb8;
	[tilespmem:$0x1E400] =	vst v63  }
0x21: {  	s21 =	simm.s32 $0x400;
	s22 =	simm.s32 $0x16400;
	s12 =	smul.u32 $0x3, s12  }
0x22: {  	[tilespmem:s22], [sflag:$0x3] =	stream.indirect.gather [hbm4b:s3+s8], $0x40, s21, s8, $0xb8;
	[tilespmem:$0x1E400] =	vst v63  }
0x23: {  	s23 =	simm.s32 $0x480;
	s12 =	ssub.s32 $0x0, s12  }
0x24: {  	[tilespmem:s26], [sflag:$0x3] =	stream.indirect.gather [hbm4b:s3+s8], $0x40, s23, s8, $0xb8;
	[tilespmem:$0x1E400] =	vst v63  }
0x25: {  	s18 =	sand.u32 $0xFF, s12  }
0x26: {  	[tilespmem:s29], [sflag:$0x3] =	stream.indirect.gather [hbm4b:s3+s8], $0x40, s28, s8, $0xb8;
	[tilespmem:$0x1E400] =	vst v63  }
0x27: {  	s15 =	sadd.s32 $0x1, s18  }
0x28: {  	[tilespmem:s31], [sflag:$0x3] =	stream.indirect.gather [hbm4b:s3+s8], $0x40, s30, s8, $0xb8;
	[tilespmem:$0x1E400] =	vst v63  }
0x29: {  	_ =	swait.ge [sflag:s15], $0x2000  }
0x2a: {  	[sflag:s15] =	ssyncset.done $0x0  }
0x2b: {  	[sflag:s15] =	ssyncadd.s32 $0xFFFFE000  }
0x2c: {  	_ =	swait.ge [sflag:s15], $0x2000  }
0x2d: {  	[sflag:s15] =	ssyncset.done $0x0  }
0x2e: {  	[sflag:s15] =	ssyncadd.s32 $0xFFFFE000  }
0x2f: {  	_ =	swait.ge [sflag:s15], $0x2000  }
0x30: {  	p0 =	por $0x0, $0x0;
	s13 =	simm.s32 $0x1;
	[sflag:s15] =	ssyncset.done $0x0  }
0x31: {  	s14 =	sadd.s32 $0x2000, s6;
	s19 =	smul.u32 $0xAB, s13;
	[sflag:s15] =	ssyncadd.s32 $0xFFFFE000  }
0x32: {  	s17 =	simm.s32 $0x1000;
	s12 =	simm.s32 $0x800;
	_ =	swait.ge [sflag:s15], $0x2000  }
0x33: {  	s16 =	sshll.u32 s18, $0xF;
	s25 =	sshrl.u32 s19, $0x9;
	[sflag:s15] =	ssyncset.done $0x0  }
0x34: {  	s21 =	sor.u32 $0x6400, s16;
	s23 =	sor.u32 $0x4, s18;
	[sflag:s15] =	ssyncadd.s32 $0xFFFFE000  }
0x35: {  	[hbm4b:s6+s0] =	stream.strided.scatter [tilespmem:s21], [sflag:s23], $0x8000, s8, s0, $0x38;
	[tilespmem:$0x1E400] =	vst v63  }
0x36: {  	s22 =	simm.s32 @!p0 $0x680;
	s19 =	sand.u32 $0x7F, s25;
	_ =	swait.ge @!p0 [sflag:s23], $0x8000  }
0x37: {  	s18 =	simm.s32 @!p0 $0x0;
	s20 =	smul.u32 $0x3, s19;
	[sflag:s23] =	ssyncset.done @!p0 $0x0  }
0x38: {  	s19 =	simm.s32 @!p0 $0x80;
	[sflag:s23] =	ssyncadd.s32 @!p0 $0xFFFF8000;
	s23 =	simm.s32 @!p0 $0x600  }
.LBB2_2:
0x39: {  	[tilespmem:s21], [sflag:s15] =	stream.indirect.gather @!p0 [hbm4b:s3+s19], $0x40, s23, s19, $0xb8;
	[tilespmem:$0x1E400] =	vst v63  }
0x3a: {  	s23 =	smov.u32 s12;
	s12 =	smov.u32 s17;
	s21 =	smov.u32 s13  }
0x3b: {  	s17 =	sadd.s32 $0x800, s17;
	s24 =	sadd.s32 @!p0 $0x8400, s16;
	s25 =	sadd.s32 @!p0 $0x700, s18  }
0x3c: {  	[tilespmem:s24], [sflag:s15] =	stream.indirect.gather @!p0 [hbm4b:s3+s19], $0x40, s22, s19, $0xb8;
	[tilespmem:$0x1E400] =	vst v63  }
0x3d: {  	s20 =	ssub.s32 s13, s20;
	p1 =	sne.s32 s17, $0x19000;
	s22 =	sadd.s32 @!p0 $0xA400, s16  }
0x3e: {  	[tilespmem:s22], [sflag:s15] =	stream.indirect.gather @!p0 [hbm4b:s3+s19], $0x40, s25, s19, $0xb8;
	[tilespmem:$0x1E400] =	vst v63  }
0x3f: {  	s18 =	sadd.s32 @!p0 $0x780, s18;
	s20 =	sand.u32 $0xFF, s20;
	s22 =	sadd.s32 @!p0 $0xC400, s16  }
0x40: {  	s24 =	sadd.s32 $0x1, s20;
	s16 =	sshll.u32 s20, $0xF;
	s25 =	smov.u32 s14  }
0x41: {  	[tilespmem:s22], [sflag:s15] =	stream.indirect.gather @!p0 [hbm4b:s3+s19], $0x40, s18, s19, $0xb8;
	[tilespmem:$0x1E400] =	vst v63  }
0x42: {  	s15 =	smov.u32 s24;
	_ =	swait.ge [sflag:s24], $0x2000  }
0x43: {  	[sflag:s15] =	ssyncset.done $0x0  }
0x44: {  	[sflag:s15] =	ssyncadd.s32 $0xFFFFE000  }
0x45: {  	_ =	swait.ge [sflag:s15], $0x2000  }
0x46: {  	[sflag:s15] =	ssyncset.done $0x0  }
0x47: {  	[sflag:s15] =	ssyncadd.s32 $0xFFFFE000  }
0x48: {  	_ =	swait.ge [sflag:s15], $0x2000  }
0x49: {  	[sflag:s15] =	ssyncset.done $0x0  }
0x4a: {  	s13 =	sadd.s32 $0x1, s13;
	s14 =	sadd.s32 $0x2000, s14;
	[sflag:s15] =	ssyncadd.s32 $0xFFFFE000  }
0x4b: {  	s18 =	smul.u32 $0xAB, s13;
	s19 =	sor.u32 $0x4, s20;
	_ =	swait.ge [sflag:s15], $0x2000  }
0x4c: {  	p0 =	sgt.u32 s21, $0x2E;
	s21 =	sor.u32 $0x6400, s16;
	[sflag:s15] =	ssyncset.done $0x0  }
.Ltmp0:
0x4d: {  	s18 =	sshrl.u32 s18, $0x9;
	[sflag:s15] =	ssyncadd.s32 $0xFFFFE000;
	(pc) =	sbr.rel @p1 .LBB2_2-.Ltmp0, $4  }
0x4e: {  	[hbm4b:s25+s0] =	stream.strided.scatter [tilespmem:s21], [sflag:s19], $0x8000, s8, s0, $0x38;
	[tilespmem:$0x1E400] =	vst v63  }
0x4f: {  	s20 =	sand.u32 $0x7F, s18;
	s18 =	sshra.s32 @!p0 s23, $0x2;
	_ =	swait.ge @!p0 [sflag:s19], $0x8000  }
0x50: {  	s20 =	smul.u32 $0x3, s20;
	s22 =	sadd.s32 @!p0 $0x680, s18;
	[sflag:s19] =	ssyncset.done @!p0 $0x0  }
0x51: {  	s23 =	sadd.s32 @!p0 $0x600, s18;
	[sflag:s19] =	ssyncadd.s32 @!p0 $0xFFFF8000;
	s19 =	simm.s32 @!p0 $0x80  }
0x52: {  	[tilespmem:s21], [sflag:s15] =	stream.indirect.gather @!p0 [hbm4b:s3+s19], $0x40, s23, s19, $0xb8;
	[tilespmem:$0x1E400] =	vst v63  }
0x53: {  	s17 =	sadd.s32 @!p0 $0x8400, s16;
	s20 =	ssub.s32 s13, s20  }
0x54: {  	[tilespmem:s17], [sflag:s15] =	stream.indirect.gather @!p0 [hbm4b:s3+s19], $0x40, s22, s19, $0xb8;
	[tilespmem:$0x1E400] =	vst v63  }
0x55: {  	s21 =	sadd.s32 @!p0 $0xA400, s16;
	s25 =	sand.u32 $0xFF, s20;
	s17 =	sadd.s32 @!p0 $0x700, s18  }
0x56: {  	[tilespmem:s21], [sflag:s15] =	stream.indirect.gather @!p0 [hbm4b:s3+s19], $0x40, s17, s19, $0xb8;
	[tilespmem:$0x1E400] =	vst v63  }
0x57: {  	s16 =	sadd.s32 @!p0 $0xC400, s16;
	s18 =	sadd.s32 @!p0 $0x780, s18;
	s20 =	sadd.s32 $0x1, s25  }
0x58: {  	[tilespmem:s16], [sflag:s15] =	stream.indirect.gather @!p0 [hbm4b:s3+s19], $0x40, s18, s19, $0xb8;
	[tilespmem:$0x1E400] =	vst v63  }
0x59: {  	_ =	swait.ge [sflag:s20], $0x2000  }
0x5a: {  	[sflag:s20] =	ssyncset.done $0x0  }
0x5b: {  	[sflag:s20] =	ssyncadd.s32 $0xFFFFE000  }
0x5c: {  	_ =	swait.ge [sflag:s20], $0x2000  }
0x5d: {  	[sflag:s20] =	ssyncset.done $0x0  }
0x5e: {  	[sflag:s20] =	ssyncadd.s32 $0xFFFFE000  }
0x5f: {  	_ =	swait.ge [sflag:s20], $0x2000  }
0x60: {  	[sflag:s20] =	ssyncset.done $0x0  }
0x61: {  	[sflag:s20] =	ssyncadd.s32 $0xFFFFE000  }
0x62: {  	_ =	swait.ge [sflag:s20], $0x2000  }
0x63: {  	s15 =	sshll.u32 s25, $0xF;
	s16 =	sor.u32 $0x4, s25;
	[sflag:s20] =	ssyncset.done $0x0  }
0x64: {  	p0 =	sgt.u32 s13, $0x2E;
	s13 =	sor.u32 $0x6400, s15;
	[sflag:s20] =	ssyncadd.s32 $0xFFFFE000  }
0x65: {  	[hbm4b:s14+s0] =	stream.strided.scatter [tilespmem:s13], [sflag:s16], $0x8000, s8, s0, $0x38;
	[tilespmem:$0x1E400] =	vst v63  }
0x66: {  	_ =	swait.ge @!p0 [sflag:s16], $0x8000  }
0x67: {  	s12 =	sshra.s32 @!p0 s12, $0x2;
	[sflag:s16] =	ssyncset.done @!p0 $0x0  }
0x68: {  	s14 =	sadd.s32 @!p0 $0x600, s12;
	[sflag:s16] =	ssyncadd.s32 @!p0 $0xFFFF8000;
	s16 =	simm.s32 @!p0 $0x80  }
0x69: {  	[tilespmem:s13], [sflag:s20] =	stream.indirect.gather @!p0 [hbm4b:s3+s16], $0x40, s14, s16, $0xb8;
	[tilespmem:$0x1E400] =	vst v63  }
0x6a: {  	s13 =	sadd.s32 @!p0 $0x680, s12;
	s14 =	sadd.s32 @!p0 $0x8400, s15  }
0x6b: {  	[tilespmem:s14], [sflag:s20] =	stream.indirect.gather @!p0 [hbm4b:s3+s16], $0x40, s13, s16, $0xb8;
	[tilespmem:$0x1E400] =	vst v63  }
0x6c: {  	s13 =	sadd.s32 @!p0 $0x700, s12;
	s14 =	sadd.s32 @!p0 $0xA400, s15  }
0x6d: {  	[tilespmem:s14], [sflag:s20] =	stream.indirect.gather @!p0 [hbm4b:s3+s16], $0x40, s13, s16, $0xb8;
	[tilespmem:$0x1E400] =	vst v63  }
0x6e: {  	s12 =	sadd.s32 @!p0 $0x780, s12;
	s13 =	sadd.s32 @!p0 $0xC400, s15  }
0x6f: {  	[tilespmem:s13], [sflag:s20] =	stream.indirect.gather @!p0 [hbm4b:s3+s16], $0x40, s12, s16, $0xb8;
	[tilespmem:$0x1E400] =	vst v63  }
0x70: {  	_ =	swait.ge [sflag:s1], $0x8000  }
0x71: {  	[sflag:s1] =	ssyncset.done $0x0  }
0x72: {  	s11 =	sadd.s32 $0x1, s11;
	[sflag:s1] =	ssyncadd.s32 $0xFFFF8000  }
0x73: {  	p0 =	sne.s32 s11, s5;
	_ =	swait.ge [sflag:s9], $0x8000  }
.Ltmp1:
0x74: {  	[sflag:s9] =	ssyncset.done $0x0;
	(pc) =	sbr.rel @p0 .LBB2_1-.Ltmp1, $4  }
0x75: {  	[sflag:s9] =	ssyncadd.s32 $0xFFFF8000  }
0x76: {  	_ =	swait.ge [sflag:s10], $0x8000  }
0x77: {  	[sflag:s10] =	ssyncset.done $0x0  }
0x78: {  	[sflag:s10] =	ssyncadd.s32 $0xFFFF8000  }
0x79: {  	_ =	sfence.sel $0x180000  }
0x7a: {  	[bflag:$0x0] =	sbarrier.arrive $0xFFFF  }
0x7b: {  	_ =	strace $0x90000047  }
0x7c: {  	s0 =	stileid.u32;
	[bflag:$0x2] =	sbarrier.arrive $0xFFFF  }
0x7d: {  	p0 =	sne.s32 s0, $0x0;
	s0 =	rddreg [dreg:$0x2]  }
0x7e: {  	s0 =	sadd.s32 @!p0 $0x100000, s0  }
0x7f: {  	[sflag:s0] =	ssyncadd.tile.s32 @!p0 $0x1;
	_ =	shalt  }
.Lfunc_end2:
_tile_overlayer_lowered:
.L_overlay_start_2:
0x80: {  	(tag) =	ssettag $0x2  }
0x81: {  	s0 =	rddreg [dreg:$0x0];
	s2 =	stileid.u32  }
0x82: {  	s1 =	rddreg [dreg:$0x1];
	p0 =	sne.s32 s2, $0x0  }
0x83: {  	s3 =	rddreg [dreg:$0x2];
	[bflag:$0x3] =	sbarrier.arrive $0xFFFF;
	s2 =	simm.s32 @!p0 $0x1C07  }
0x84: {  	[timem:s3], [sflag:s2] =	dma.local @!p0 [hbm:s0], s1  }
0x85: {  	s0 =	simm.s32 @!p0 $0x7  }
0x86: {  	_ =	swait.ge @!p0 [sflag:s0], s1  }
0x87: {  	s1 =	ssub.s32 @!p0 $0x0, s1;
	[sflag:s0] =	ssyncset.done @!p0 $0x0  }
0x88: {  	[sflag:s0] =	ssyncadd.s32 @!p0 s1  }
0x89: {  	[bflag:$0x3] =	sbarrier.arrive $0xFFFF  }
0x8a: {  	_ =	shalt  }

// kernel: sparse-core-data-format-call.cloned.1.call-start
scs
called_computation_lowered:
.L_overlay_start_0:
0x0: {  	s2 =	sld [smem:$0x3FD9]  }
0x1: {  	s3 =	sld [smem:$0x3FFE];
	_ =	sdelay $0x1  }
0x2: {  	s1 =	srdreg.scid  }
0x3: {  	s0 =	sand.u32 $0x1, s1  }
0x4: {  	s18 =	sshll.u32 s0, $0xA;
	s2 =	sadd.s32 s3, s2  }
0x5: {  	s2 =	sadd.s32 s2, s18  }
0x6: {  	[smem:$0x3FC6] =	sst s2  }
0x7: {  	_ = 	snop  }
0x8: {  	s2 =	sld [smem:$0x3FD0];
	(tm) =	ssettm $0x1  }
0x9: {  	s19 =	sld [smem:$0x3FFB];
	_ =	sdelay $0x3  }
0xa: {  	_ =	strace s19  }
0xb: {  	s3 =	sld [smem:$0x3FFC];
	_ =	sdelay $0x3  }
0xc: {  	_ =	strace s3  }
0xd: {  	s3 =	sld [smem:$0x3FFD];
	_ =	sdelay $0x3  }
0xe: {  	_ =	strace s3  }
0xf: {  	_ =	strace $0x8FFFFFFF  }
0x10: {  	s20 =	sld [smem:$0x3FDB];
	_ =	sdelay $0x1  }
0x11: {  	s4 =	simm.s32 $_scs_section_size  }
0x12: {  	s5 =	simm.s32 $_size__tile_overlayer_lowered;
	s6 =	simm.s32 $_tile_overlayer_lowered  }
0x13: {  	s23 =	simm.s32 $0x1BFF;
	s22 =	sshll.u32 s6, $0x1;
	s3 =	sadd.s32 s4, s20  }
0x14: {  	s7 =	simm.s32 $0x0;
	s21 =	sshll.u32 s5, $0x1;
	s5 =	sadd.s32 s22, s3  }
0x15: {  	[timem:s7], [sflag:s23] =	dma.local [hbm:s5], s21  }
0x16: {  	_ =	swait.ge [sflag:s23], s21  }
0x17: {  	s4 =	ssub.s32 $0x0, s21;
	[sflag:s23] =	ssyncset.done $0x0  }
0x18: {  	[sflag:s23] =	ssyncadd.s32 s4;
	_ =	sdelay $0x1  }
0x19: {  	s24 =	simm.s32 $0x1B8B  }
0x1a: {  	_ =	swait.ge [sflag:s24], $0x1  }
0x1b: {  	[sflag:s24] =	ssyncset.done $0x0  }
0x1c: {  	s26 =	simm.s32 $0x1B8E;
	s25 =	sld [smem:$0x3FFE];
	[sflag:s24] =	ssyncadd.s32 $0xFFFFFFFF  }
0x1d: {  	s27 =	simm.s32 $execute0_lowered;
	[smem:$0x3FD2] =	sst s26  }
0x1e: {  	s5 =	sshll.u32 s27, $0x1;
	_ =	strace $0x80000049;
	[dreg:$0x1] =	wrdreg $0xFFFFFFFF  }
0x1f: {  	s28 =	simm.s32 $_size_execute0_lowered;
	s3 =	sadd.s32 s3, s5;
	[dreg:$0x0] =	wrdreg $0x0  }
0x20: {  	s5 =	sshll.u32 s28, $0x1;
	[dreg:$0x2] =	wrdreg s3  }
0x21: {  	[dreg:$0x3] =	wrdreg s5  }
0x22: {  	[dreg:$0x4] =	wrdreg $0xC0  }
0x23: {  	_ =	task [dreg:s7], $0x5FFFF  }
0x24: {  	[dreg:$0x1] =	wrdreg $0xFFFFFFFF  }
0x25: {  	[dreg:$0x0] =	wrdreg $0x60  }
0x26: {  	[dreg:$0x2] =	wrdreg s25  }
0x27: {  	[dreg:$0x3] =	wrdreg s2  }
0x28: {  	[dreg:$0x4] =	wrdreg $0x9  }
0x29: {  	_ =	task.clear_ibuf [dreg:s7], $0x5FFFF;
	_ =	strace $0x90000049  }
0x2a: {  	s29 =	simm.s32 $0x9;
	_ =	strace $0x8000004B  }
0x2b: {  	_ =	swait.ge [sflag:s29], $0x1  }
0x2c: {  	[sflag:s29] =	ssyncadd.s32 $0xFFFFFFFF  }
0x2d: {  	_ =	strace $0x9000004B  }
0x2e: {  	_ =	sfence  }
0x2f: {  	s30 =	sld [smem:$0x0];
	_ =	sdelay $0x2  }
0x30: {  	s31 =	sshll.u32 s1, $0xD;
	s1 =	sshrl.u32 s1, $0x2  }
0x31: {  	s3 =	sand.u32 $0x4000, s31;
	s1 =	sadd.s32 s1, s30  }
0x32: {  	s0 =	sor.u32 s3, s0;
	s1 =	sshll.u32 s1, $0x11  }
0x33: {  	s0 =	sor.u32 s1, s0  }
0x34: {  	s0 =	sadd.s32 $0x8F2B, s0  }
0x35: {  	[sflag:s0] =	ssyncadd.remote.s32 $0x1  }
0x36: {  	_ =	sfence.sel $0xFFFF  }
0x37: {  	[dreg:$0x0] =	wrdreg $0xFFFFFFFF;
	(pc) =	sbr.abs _section_cstart, $3  }
0x38: {  	[dreg:$0x1] =	wrdreg $0xFFFFFFFF  }
0x39: {  	_ =	task.clear_ibuf [dreg:s7], $0x2FFFF;
	_ =	strace $0x9FFFFFFF  }
0x3a: {  	(tm) =	ssettm $0x7FFFFFFF  }
0x3b: {  	_ =	shalt  }
tec
execute0_lowered:
.L_overlay_start_1:
0x0: {  	(tag) =	ssettag $0x1  }
0x1: {  	s0 =	srdreg.scid  }
0x2: {  	s1 =	sshll.u32 s0, $0x4  }
0x3: {  	s0 =	stileid.u32;
	s1 =	sand.u32 $0x10, s1  }
0x4: {  	s1 =	sor.u32 s0, s1  }
0x5: {  	s6 =	rddreg [dreg:$0x0];
	s4 =	simm.s32 $0x1;
	s2 =	sshll.u32 s1, $0x7  }
0x6: {  	s7 =	simm.s32 $0x2;
	s12 =	simm.s32 $0x0;
	s1 =	ssub.s32 $0x1000, s2  }
0x7: {  	s8 =	simm.s32 $0x8000;
	s13 =	simm.s32 $0x0;
	s3 =	sand.u32 $0xF80, s1  }
0x8: {  	s9 =	simm.s32 $0x0;
	s5 =	sshrl.u32 s1, $0xC;
	p0 =	sne.s32 s3, $0x0  }
.Ltmp0:
0x9: {  	s1 =	rddreg [dreg:$0x2];
	s4 =	simm.s32 @!p0 $0x0;
	(pc) =	sbr.rel .LBB1_1-.Ltmp0, $4  }
0xa: {  	s11 =	simm.s32 $0x0;
	s3 =	rddreg [dreg:$0x1];
	s5 =	sadd.s32 s4, s5  }
0xb: {  	_ =	strace $0x8000004A;
	s4 =	simm.s32 $0x1;
	s5 =	smul.u32 $0xC8, s5  }
0xc: {  	s6 =	sadd.s32 $0xA00, s6;
	s10 =	smov.u32 s2;
	[sflag:s4] =	ssyncpa.u1 $0x0  }
0xd: {  	p0 =	por $0x0, $0x0;
	[sflag:s7] =	ssyncpa.u1 $0x0;
	s7 =	sor.u32 $0x1, s5  }
.LBB1_4:
0xe: {  	s16 =	sshll.u32 s13, $0x3;
	s17 =	sand.u32 $0x78, s13  }
0xf: {  	s30 =	sand.u32 $0x7E00, s13;
	s12 =	sshll.u32 s12, $0xF;
	s16 =	sand.u32 $0xC00, s16  }
0x10: {  	[tilespmem:s15+$0x810 ss:$0x81] =	vst.msk $0xffff, v2;
	s31 =	sand.u32 $0x7, s13;
	s16 =	sor.u32 s17, s16;
	s17 =	sadd.s32 s3, s30  }
0x11: {  	[tilespmem:s15+$0x1020 ss:$0x81] =	vst.msk $0xffff, v0;
	s13 =	sshll.u32 s31, $0x12;
	s12 =	sadd.s32 s12, s17;
	s16 =	sshrl.u32 s16, $0x3  }
0x12: {  	[tilespmem:s15+$0x0 ss:$0x81] =	vst.msk $0xffff, v1;
	s13 =	sor.u32 $0x400, s13;
	s12 =	sadd.s32 s16, s12  }
0x13: {  	[hbm4b:s12+s13] =	stream.strided.scatter [tilespmem:s14], [sflag:$0x2], $0x2000, s8, s13, $0x20;
	[tilespmem:$0x8080] =	vst v63  }
.LBB1_5:
0x14: {  	s14 =	sadd.s32 $0x1, s9  }
0x15: {  	s12 =	sadd.s32 $0x1000, s10;
	s16 =	smov.u32 s10;
	p2 =	sgt.s32 s14, $0xC7  }
0x16: {  	s16 =	smov.u32 @p2 s12  }
0x17: {  	s14 =	simm.s32 @p2 $0x0;
	p2 =	sgt.s32 s16, $0xFFF  }
0x18: {  	s16 =	smov.u32 @p2 s2;
	p2 =	sne.s32 s11, s7  }
.Ltmp1:
0x19: {  	p1 =	slt.u32 s11, $0x2;
	(pc) =	sbr.rel @!p2 .LBB1_6-.Ltmp1, $4  }
0x1a: {  	s15 =	simm.s32 @!p1 $0x2  }
0x1b: {  	s13 =	smov.u32 s10;
	p0 =	por !p0, !p0;
	_ =	swait.ge @!p1 [sflag:s15], $0x2000  }
0x1c: {  	s12 =	smov.u32 s9;
	[sflag:s15] =	ssyncset.done @!p1 $0x0;
	s9 =	smov.u32 s14  }
0x1d: {  	s11 =	sadd.s32 $0x1, s11;
	[sflag:s15] =	ssyncadd.s32 @!p1 $0xFFFFE000;
	s10 =	smov.u32 s16  }
.LBB1_1:
0x1e: {  	p1 =	sge.u32 s11, s5  }
0x1f: {  	s14 =	sand.u32 @!p1 $0x1FFFFFF, s9  }
0x20: {  	s15 =	smulhi.u32 @!p1 $0x147AE15, s14;
	_ =	sdelay $0x1  }
0x21: {  	s15 =	smul.u32 @!p1 $0xC8, s15  }
0x22: {  	s16 =	sxor.u32 @!p1 $0xFFFFFFFF, s11;
	s17 =	smul.u32 @!p1 $0xC80, s10  }
0x23: {  	s31 =	sadd.s32 $0xFFFFFFFF, s11;
	s16 =	sshll.u32 @!p1 s16, $0xD;
	s14 =	ssub.s32 @!p1 s14, s15  }
0x24: {  	s15 =	sand.u32 @!p1 $0x2000, s16;
	s16 =	sadd.s32 @!p1 s6, s17;
	s14 =	sshll.u32 @!p1 s14, $0x4  }
0x25: {  	s17 =	simm.s32 @!p1 $0x6400;
	s14 =	sadd.s32 @!p1 s14, s16;
	s16 =	simm.s32 @!p1 $0x40  }
0x26: {  	[tilespmem:s15], [sflag:$0x1] =	stream.strided.gather @!p1 [hbm4b:s14+s16], $0x2000, s17, s16, $0x38;
	[tilespmem:$0x8080] =	vst v63  }
0x27: {  	p1 =	sge.u32 s31, s5  }
.Ltmp2:
0x28: {  	_ = 	snop;
	(pc) =	sbr.rel @p1 .LBB1_5-.Ltmp2, $1  }
0x29: {  	_ =	sdelay $0x3  }
0x2a: {  	s14 =	simm.s32 $0x1  }
0x2b: {  	_ =	swait.ge [sflag:s4], $0x2000;
	s14 =	simm.s32 @!p0 $0x0  }
0x2c: {  	[sflag:s4] =	ssyncset.done $0x0;
	s15 =	sshll.u32 s14, $0xD  }
0x2d: {  	[sflag:s4] =	ssyncadd.s32 $0xFFFFE000;
	s18 =	sor.u32 $0x20, s15  }
0x2e: {  	s14 =	smul.u32 $0x8100, s14;
	v3 =	vld [tilespmem:s18+$0x10]  }
0x2f: {  	s30 =	sand.u32 $0x1, s11;
	v2 =	vld [tilespmem:s18+$0xFFFFFFF0]  }
0x30: {  	s15 =	smul.u32 $0x8100, s30;
	s14 =	sshrl.u32 s14, $0x2;
	v0 =	vld [tilespmem:s18+$0x0]  }
0x31: {  	v1 =	vld [tilespmem:s18+$0xFFFFFFE0];
	s16 =	sor.u32 $0x4000, s14  }
0x32: {  	s31 =	sshrl.u32 s15, $0x2;
	s15 =	sadd.s32 $0x0, s16  }
0x33: {  	s17 =	simm.s32 $0x4;
	s18 =	sadd.s32 $0x40, s18;
	s14 =	sor.u32 $0x4000, s31;
	[tilespmem:s15+$0x1830 ss:$0x81] =	vst.msk $0xffff, v3  }
.LBB1_3:
0x34: {  	v3 =	vld [tilespmem:s18+$0x10];
	p1 =	sne.s32 s17, $0x1FC;
	[tilespmem:s15+$0x810 ss:$0x81] =	vst.msk $0xffff, v2;
	s19 =	smov.u32 s17;
	s17 =	sadd.s32 $0x4, s17  }
.Ltmp3:
0x35: {  	v2 =	vld [tilespmem:s18+$0xFFFFFFF0];
	[tilespmem:s15+$0x1020 ss:$0x81] =	vst.msk $0xffff, v0;
	(pc) =	sbr.rel @p1 .LBB1_3-.Ltmp3, $4  }
0x36: {  	v0 =	vld [tilespmem:s18+$0x0];
	[tilespmem:s15+$0x0 ss:$0x81] =	vst.msk $0xffff, v1  }
0x37: {  	s15 =	sshra.s32 s19, $0x2;
	v1 =	vld [tilespmem:s18+$0xFFFFFFE0]  }
0x38: {  	s15 =	sadd.s32 s15, s16  }
0x39: {  	s18 =	sadd.s32 $0x40, s18;
	[tilespmem:s15+$0x1830 ss:$0x81] =	vst.msk $0xffff, v3  }
.Ltmp4:
0x3a: {  	_ = 	snop;
	(pc) =	sbr.rel .LBB1_4-.Ltmp4, $1  }
0x3b: {  	_ =	sdelay $0x3  }
.LBB1_6:
0x3c: {  	_ =	sfence.sel $0x180000  }
0x3d: {  	s2 =	simm.s32 $0x1;
	[bflag:$0x0] =	sbarrier.arrive $0xFFFF  }
0x3e: {  	s31 =	simm.s32 $0x2;
	[sflag:s2] =	ssyncpa.u1 $0x1  }
0x3f: {  	[sflag:s31] =	ssyncpa.u1 $0x1  }
0x40: {  	p0 =	sne.s32 s0, $0x0;
	_ =	strace $0x9000004A  }
0x41: {  	s0 =	sadd.s32 @!p0 $0x100000, s1;
	[bflag:$0x2] =	sbarrier.arrive $0xFFFF  }
0x42: {  	[sflag:s0] =	ssyncadd.tile.s32 @!p0 $0x1;
	_ =	shalt  }
.Lfunc_end1:
_tile_overlayer_lowered:
.L_overlay_start_2:
0x43: {  	(tag) =	ssettag $0x2  }
0x44: {  	s0 =	rddreg [dreg:$0x0];
	s2 =	stileid.u32  }
0x45: {  	s1 =	rddreg [dreg:$0x1];
	p0 =	sne.s32 s2, $0x0  }
0x46: {  	s3 =	rddreg [dreg:$0x2];
	[bflag:$0x3] =	sbarrier.arrive $0xFFFF;
	s2 =	simm.s32 @!p0 $0x1C01  }
0x47: {  	[timem:s3], [sflag:s2] =	dma.local @!p0 [hbm:s0], s1  }
0x48: {  	s0 =	simm.s32 @!p0 $0x1  }
0x49: {  	_ =	swait.ge @!p0 [sflag:s0], s1  }
0x4a: {  	s1 =	ssub.s32 @!p0 $0x0, s1;
	[sflag:s0] =	ssyncset.done @!p0 $0x0  }
0x4b: {  	[sflag:s0] =	ssyncadd.s32 @!p0 s1  }
0x4c: {  	[bflag:$0x3] =	sbarrier.arrive $0xFFFF  }
0x4d: {  	_ =	shalt  }

</sc_bundles>
